<compile_context>
chip_gen: v7x
topology: tpu7x:2x2x1
jax: 0.10.2.dev20260603
libtpu: 0.0.44.dev20260713+nightly
codegen_flags: <defaults>
</compile_context>

<pallas_src>
import functools

import jax
import jax.numpy as jnp
from jax import lax
from jax.experimental import pallas as pl
from jax.experimental.pallas import tpu as pltpu
from jax.experimental.pallas import tpu_sc as plsc

VOCAB = 75966
EMB = 300
SEQ = 100
BATCH = 4096
HID = 128

VOCAB_PAD = 76800
HALF = VOCAB_PAD // 2
BV = 3840
NB = HALF // BV

NC = 2
NS = 16
NW = NC * NS
LANES = 16
CHUNKS = BATCH // LANES


def _round_bf16_bits(m):
    u = lax.bitcast_convert_type(m, jnp.uint32)
    sixteen = jnp.uint32(16)
    lsb = lax.shift_right_logical(u, sixteen) & jnp.uint32(1)
    return lax.shift_right_logical(u + jnp.uint32(0x7FFF) + lsb, sixteen)


def _table_body(elo_ref, ehi_ref, w1_ref, w2_ref, mt_ref, vs_ref):
    @pl.when(pl.program_id(0) == 0)
    def _():
        v = lax.dot_general(
            w2_ref[...], w1_ref[...],
            dimension_numbers=(((1,), (0,)), ((), ())))
        for s in range(SEQ):
            vs_ref[s:s + 1, :] = v[:, s * EMB:(s + 1) * EMB]

    vs = vs_ref[...]
    mlo = lax.dot_general(
        vs, jnp.maximum(elo_ref[...], 0.0),
        dimension_numbers=(((1,), (1,)), ((), ())))
    mhi = lax.dot_general(
        vs, jnp.maximum(ehi_ref[...], 0.0),
        dimension_numbers=(((1,), (1,)), ((), ())))
    packed = (_round_bf16_bits(mlo)
              | lax.shift_left(_round_bf16_bits(mhi), jnp.uint32(16)))
    mt_ref[...] = lax.bitcast_convert_type(packed, jnp.int32)


def _build_table(E, W1, W2):
    return pl.pallas_call(
        _table_body,
        grid=(NB,),
        in_specs=[
            pl.BlockSpec((BV, EMB), lambda i: (i, 0)),
            pl.BlockSpec((BV, EMB), lambda i: (NB + i, 0)),
            pl.BlockSpec((HID, SEQ * EMB), lambda i: (0, 0)),
            pl.BlockSpec((1, HID), lambda i: (0, 0)),
        ],
        out_specs=pl.BlockSpec((SEQ, BV), lambda i: (0, i)),
        out_shape=jax.ShapeDtypeStruct((SEQ, HALF), jnp.int32),
        scratch_shapes=[pltpu.VMEM((SEQ, EMB), jnp.float32)],
    )(E, E, W1, W2)


NPOS = SEQ // NW
EXTRA = SEQ - NPOS * NW


def _gather_body(mt_hbm, xt_hbm, part_hbm, col_a, col_b, xcol_a, xcol_b,
                 acc_v, sem_ca, sem_cb, sem_xa, sem_xb):
    wid = lax.axis_index("s") * NC + lax.axis_index("c")
    cols, xcols = (col_a, col_b), (xcol_a, xcol_b)
    csems, xsems = (sem_ca, sem_cb), (sem_xa, sem_xb)

    def issue(j, slot):
        s = wid + j * NW
        pltpu.async_copy(mt_hbm.at[s], cols[slot], csems[slot])
        pltpu.async_copy(xt_hbm.at[s], xcols[slot], xsems[slot])

    def drain(j, slot):
        s = wid + j * NW
        pltpu.make_async_copy(mt_hbm.at[s], cols[slot], csems[slot]).wait()
        pltpu.make_async_copy(xt_hbm.at[s], xcols[slot], xsems[slot]).wait()

    def gather_into(slot, first):
        col_v, xcol_v = cols[slot], xcols[slot]

        def chunk(i, carry):
            base = pl.multiple_of(i * LANES, LANES)
            x16 = xcol_v[pl.ds(base, LANES)]
            is_hi = x16 >= HALF
            idx = jnp.where(is_hi, x16 - HALF, x16)
            w = plsc.load_gather(col_v, [idx])
            bits = jnp.where(is_hi,
                             w & jnp.int32(-65536),
                             lax.shift_left(w, jnp.int32(16)))
            vals = plsc.bitcast(bits, jnp.float32)
            if first:
                acc_v[pl.ds(base, LANES)] = vals
            else:
                acc_v[pl.ds(base, LANES)] = acc_v[pl.ds(base, LANES)] + vals
            return carry

        lax.fori_loop(0, CHUNKS, chunk, 0)

    issue(0, 0)
    for j in range(NPOS):
        slot = j % 2
        nxt = (j + 1) % 2
        if j + 1 < NPOS:
            issue(j + 1, nxt)
        else:
            @pl.when(wid < EXTRA)
            def _():
                issue(NPOS, nxt)
        drain(j, slot)
        gather_into(slot, j == 0)

    @pl.when(wid < EXTRA)
    def _():
        drain(NPOS, NPOS % 2)
        gather_into(NPOS % 2, False)

    pltpu.sync_copy(acc_v, part_hbm.at[wid])


def _sc_gather(mt, xt):
    mesh = plsc.VectorSubcoreMesh(core_axis_name="c", subcore_axis_name="s")
    fn = functools.partial(
        pl.kernel,
        mesh=mesh,
        out_type=jax.ShapeDtypeStruct((NW, BATCH), jnp.float32),
        scratch_types=[
            pltpu.VMEM((HALF,), jnp.int32),
            pltpu.VMEM((HALF,), jnp.int32),
            pltpu.VMEM((BATCH,), jnp.int32),
            pltpu.VMEM((BATCH,), jnp.int32),
            pltpu.VMEM((BATCH,), jnp.float32),
            pltpu.SemaphoreType.DMA,
            pltpu.SemaphoreType.DMA,
            pltpu.SemaphoreType.DMA,
            pltpu.SemaphoreType.DMA,
        ],
        compiler_params=pltpu.CompilerParams(needs_layout_passes=False),
    )(_gather_body)
    return fn(mt, xt)


def _combine_body(part_ref, b1_ref, w2_ref, b2_ref, o_ref):
    c = jnp.sum(b1_ref[...] * w2_ref[...]) + b2_ref[0, 0]
    o_ref[...] = jnp.sum(part_ref[...], axis=0, keepdims=True) + c


def _combine(part, b1, W2, b2):
    return pl.pallas_call(
        _combine_body,
        out_shape=jax.ShapeDtypeStruct((1, BATCH), jnp.float32),
    )(part, b1.reshape(1, HID), W2, b2.reshape(1, 1))


def kernel(x, emb_table, W1, b1, W2, b2):
    mt = _build_table(emb_table, W1, W2)
    xt = x.T.astype(jnp.int32)
    part = _sc_gather(mt, xt)
    out = _combine(part, b1, W2, b2)
    return out.reshape(BATCH, 1)

# --- scband reference (transcript-rebuilt; emitter-appended) ---
"""Pipeline reference for scband-sentiment-base-16484084482270 (READ-ONLY COPY).

The authoritative reference and input builder live on the scoring server;
editing this copy changes nothing except your own understanding.
"""

import jax, jax.numpy as jnp
import numpy as np

VOCAB = 75966
EMB = 300
SEQ = 100
BATCH = 4096
HID = 128

def setup_inputs(seed: int = 0) -> dict:
    key = jax.random.key(seed)
    k1, k2, k3, k4 = jax.random.split(key, 4)
    x = jax.random.randint(k1, (BATCH, SEQ), 0, VOCAB, dtype=jnp.int64 if jax.config.jax_enable_x64 else jnp.int32)
    emb_table = jax.random.normal(k2, (VOCAB, EMB), dtype=jnp.float32) * 0.02
    W1 = jax.random.normal(k3, (HID, EMB * SEQ), dtype=jnp.float32) * (1.0 / np.sqrt(EMB * SEQ))
    b1 = jnp.zeros((HID,), dtype=jnp.float32)
    W2 = jax.random.normal(k4, (1, HID), dtype=jnp.float32) * (1.0 / np.sqrt(HID))
    b2 = jnp.zeros((1,), dtype=jnp.float32)
    return {"x": x, "emb_table": emb_table, "W1": W1, "b1": b1, "W2": W2, "b2": b2}

def reference(x, emb_table, W1, b1, W2, b2):
    # emb = self.embedding(x)
    emb = jnp.take(emb_table, x, axis=0)  # [B, SEQ, EMB]
    # pooled = emb.reshape((B, SEQ*EMB))
    pooled = emb.reshape((emb.shape[0], emb.shape[1] * emb.shape[2]))
    # out = self.linear1(F.relu(pooled))
    h = jnp.maximum(pooled, 0.0) @ W1.T + b1
    # out = self.linear2(out)
    out = h @ W2.T + b2
    return out

if __name__ == "__main__":
    import jax
    _d = setup_inputs()
    print(jax.jit(kernel)(*tuple(_d.values())))

</pallas_src>

<mosaic_0001>
#map = affine_map<(d0, d1) -> (0, 0)>
module attributes {stable_mosaic.version = 14 : i64} {
  func.func @_gather_body(%arg0: i32, %arg1: i32, %arg2: memref<100x38400xi32, #tpu.memory_space<hbm>>, %arg3: memref<100x4096xi32, #tpu.memory_space<hbm>>, %arg4: memref<32x4096xf32, #tpu.memory_space<hbm>>, %arg5: memref<38400xi32, #tpu.memory_space<vmem>>, %arg6: memref<38400xi32, #tpu.memory_space<vmem>>, %arg7: memref<4096xi32, #tpu.memory_space<vmem>>, %arg8: memref<4096xi32, #tpu.memory_space<vmem>>, %arg9: memref<4096xf32, #tpu.memory_space<vmem>>, %arg10: memref<!tpu.dma_semaphore, #tpu.memory_space<semaphore_mem>>, %arg11: memref<!tpu.dma_semaphore, #tpu.memory_space<semaphore_mem>>, %arg12: memref<!tpu.dma_semaphore, #tpu.memory_space<semaphore_mem>>, %arg13: memref<!tpu.dma_semaphore, #tpu.memory_space<semaphore_mem>>) attributes {dimension_semantics = [#tpu.dimension_semantics<core_parallel>, #tpu.dimension_semantics<subcore_parallel>], iteration_bounds = array<i64: 2, 16>, scalar_prefetch = 0 : i64, scratch_operands = 9 : i64, tpu.core_type = #tpu.core_type<sc_vector_subcore>, window_params = [{transform_indices = #map}, {transform_indices = #map}, {transform_indices = #map}]} {
    %mul3A = arith.constant 2 : i32
    %mul3A_0 = arith.muli %arg1, %mul3A : i32
    %add3A = arith.addi %mul3A_0, %arg0 : i32
    %add3A_1 = arith.constant 0 : i32
    %add3A_2 = arith.addi %add3A, %add3A_1 : i32
    %dma_start3A = arith.constant 0 : i32
    %dma_start3A_3 = tpu.memref_slice %arg2[%add3A_2, %dma_start3A] : memref<100x38400xi32, #tpu.memory_space<hbm>> -> memref<1x38400xi32, #tpu.memory_space<hbm>>
    %dma_start3A_4 = tpu.memref_squeeze %dma_start3A_3 : memref<1x38400xi32, #tpu.memory_space<hbm>> -> memref<38400xi32, #tpu.memory_space<hbm>>
    %dma_start3A_5 = arith.constant 0 : i32
    %dma_start3A_6 = tpu.memref_slice %arg2[%add3A_2, %dma_start3A_5] : memref<100x38400xi32, #tpu.memory_space<hbm>> -> memref<1x38400xi32, #tpu.memory_space<hbm>>
    %dma_start3A_7 = tpu.memref_squeeze %dma_start3A_6 : memref<1x38400xi32, #tpu.memory_space<hbm>> -> memref<38400xi32, #tpu.memory_space<hbm>>
    tpu.enqueue_dma source(%dma_start3A_7 : memref<38400xi32, #tpu.memory_space<hbm>>) target(%arg5 : memref<38400xi32, #tpu.memory_space<vmem>>) target_semaphore(%arg10 : memref<!tpu.dma_semaphore, #tpu.memory_space<semaphore_mem>>)
    %dma_start3A_8 = arith.constant 0 : i32
    %dma_start3A_9 = tpu.memref_slice %arg3[%add3A_2, %dma_start3A_8] : memref<100x4096xi32, #tpu.memory_space<hbm>> -> memref<1x4096xi32, #tpu.memory_space<hbm>>
    %dma_start3A_10 = tpu.memref_squeeze %dma_start3A_9 : memref<1x4096xi32, #tpu.memory_space<hbm>> -> memref<4096xi32, #tpu.memory_space<hbm>>
    %dma_start3A_11 = arith.constant 0 : i32
    %dma_start3A_12 = tpu.memref_slice %arg3[%add3A_2, %dma_start3A_11] : memref<100x4096xi32, #tpu.memory_space<hbm>> -> memref<1x4096xi32, #tpu.memory_space<hbm>>
    %dma_start3A_13 = tpu.memref_squeeze %dma_start3A_12 : memref<1x4096xi32, #tpu.memory_space<hbm>> -> memref<4096xi32, #tpu.memory_space<hbm>>
    tpu.enqueue_dma source(%dma_start3A_13 : memref<4096xi32, #tpu.memory_space<hbm>>) target(%arg7 : memref<4096xi32, #tpu.memory_space<vmem>>) target_semaphore(%arg12 : memref<!tpu.dma_semaphore, #tpu.memory_space<semaphore_mem>>)
    %add3A_14 = arith.constant 32 : i32
    %add3A_15 = arith.addi %add3A, %add3A_14 : i32
    %dma_start3A_16 = arith.constant 0 : i32
    %dma_start3A_17 = tpu.memref_slice %arg2[%add3A_15, %dma_start3A_16] : memref<100x38400xi32, #tpu.memory_space<hbm>> -> memref<1x38400xi32, #tpu.memory_space<hbm>>
    %dma_start3A_18 = tpu.memref_squeeze %dma_start3A_17 : memref<1x38400xi32, #tpu.memory_space<hbm>> -> memref<38400xi32, #tpu.memory_space<hbm>>
    %dma_start3A_19 = arith.constant 0 : i32
    %dma_start3A_20 = tpu.memref_slice %arg2[%add3A_15, %dma_start3A_19] : memref<100x38400xi32, #tpu.memory_space<hbm>> -> memref<1x38400xi32, #tpu.memory_space<hbm>>
    %dma_start3A_21 = tpu.memref_squeeze %dma_start3A_20 : memref<1x38400xi32, #tpu.memory_space<hbm>> -> memref<38400xi32, #tpu.memory_space<hbm>>
    tpu.enqueue_dma source(%dma_start3A_21 : memref<38400xi32, #tpu.memory_space<hbm>>) target(%arg6 : memref<38400xi32, #tpu.memory_space<vmem>>) target_semaphore(%arg11 : memref<!tpu.dma_semaphore, #tpu.memory_space<semaphore_mem>>)
    %dma_start3A_22 = arith.constant 0 : i32
    %dma_start3A_23 = tpu.memref_slice %arg3[%add3A_15, %dma_start3A_22] : memref<100x4096xi32, #tpu.memory_space<hbm>> -> memref<1x4096xi32, #tpu.memory_space<hbm>>
    %dma_start3A_24 = tpu.memref_squeeze %dma_start3A_23 : memref<1x4096xi32, #tpu.memory_space<hbm>> -> memref<4096xi32, #tpu.memory_space<hbm>>
    %dma_start3A_25 = arith.constant 0 : i32
    %dma_start3A_26 = tpu.memref_slice %arg3[%add3A_15, %dma_start3A_25] : memref<100x4096xi32, #tpu.memory_space<hbm>> -> memref<1x4096xi32, #tpu.memory_space<hbm>>
    %dma_start3A_27 = tpu.memref_squeeze %dma_start3A_26 : memref<1x4096xi32, #tpu.memory_space<hbm>> -> memref<4096xi32, #tpu.memory_space<hbm>>
    tpu.enqueue_dma source(%dma_start3A_27 : memref<4096xi32, #tpu.memory_space<hbm>>) target(%arg8 : memref<4096xi32, #tpu.memory_space<vmem>>) target_semaphore(%arg13 : memref<!tpu.dma_semaphore, #tpu.memory_space<semaphore_mem>>)
    %add3A_28 = arith.constant 0 : i32
    %add3A_29 = arith.addi %add3A, %add3A_28 : i32
    %dma_wait3A = arith.constant 0 : i32
    %dma_wait3A_30 = tpu.memref_slice %arg2[%add3A_29, %dma_wait3A] : memref<100x38400xi32, #tpu.memory_space<hbm>> -> memref<1x38400xi32, #tpu.memory_space<hbm>>
    %dma_wait3A_31 = tpu.memref_squeeze %dma_wait3A_30 : memref<1x38400xi32, #tpu.memory_space<hbm>> -> memref<38400xi32, #tpu.memory_space<hbm>>
    %dma_wait3A_32 = arith.constant 0 : i32
    %dma_wait3A_33 = tpu.memref_slice %arg2[%add3A_29, %dma_wait3A_32] : memref<100x38400xi32, #tpu.memory_space<hbm>> -> memref<1x38400xi32, #tpu.memory_space<hbm>>
    %dma_wait3A_34 = tpu.memref_squeeze %dma_wait3A_33 : memref<1x38400xi32, #tpu.memory_space<hbm>> -> memref<38400xi32, #tpu.memory_space<hbm>>
    tpu.wait_dma2 semaphore(%arg10 : memref<!tpu.dma_semaphore, #tpu.memory_space<semaphore_mem>>) src(%dma_wait3A_34 : memref<38400xi32, #tpu.memory_space<hbm>>) dst(%arg5 : memref<38400xi32, #tpu.memory_space<vmem>>)
    %dma_wait3A_35 = arith.constant 0 : i32
    %dma_wait3A_36 = tpu.memref_slice %arg3[%add3A_29, %dma_wait3A_35] : memref<100x4096xi32, #tpu.memory_space<hbm>> -> memref<1x4096xi32, #tpu.memory_space<hbm>>
    %dma_wait3A_37 = tpu.memref_squeeze %dma_wait3A_36 : memref<1x4096xi32, #tpu.memory_space<hbm>> -> memref<4096xi32, #tpu.memory_space<hbm>>
    %dma_wait3A_38 = arith.constant 0 : i32
    %dma_wait3A_39 = tpu.memref_slice %arg3[%add3A_29, %dma_wait3A_38] : memref<100x4096xi32, #tpu.memory_space<hbm>> -> memref<1x4096xi32, #tpu.memory_space<hbm>>
    %dma_wait3A_40 = tpu.memref_squeeze %dma_wait3A_39 : memref<1x4096xi32, #tpu.memory_space<hbm>> -> memref<4096xi32, #tpu.memory_space<hbm>>
    tpu.wait_dma2 semaphore(%arg12 : memref<!tpu.dma_semaphore, #tpu.memory_space<semaphore_mem>>) src(%dma_wait3A_40 : memref<4096xi32, #tpu.memory_space<hbm>>) dst(%arg7 : memref<4096xi32, #tpu.memory_space<vmem>>)
    %scan3A = arith.constant 0 : i32
    %scan3A_41 = arith.constant 0 : i32
    %scan3A_42 = arith.constant 256 : i32
    %scan3A_43 = arith.addi %scan3A_41, %scan3A_42 : i32
    %scan3A_44 = arith.constant 1 : i32
    scf.for %scan3A_107 = %scan3A_41 to %scan3A_43 step %scan3A_44  : i32 {
      %mul3A_108 = arith.constant 16 : i32
      %mul3A_109 = arith.muli %scan3A_107, %mul3A_108 : i32
      %multiple_of3A = tpu.assume_multiple %mul3A_109, 16 : i32
      %get3A = arith.index_cast %multiple_of3A : i32 to index
      %get3A_110 = tpu.vector_load %arg7[%get3A] {strides = array<i32>} : memref<4096xi32, #tpu.memory_space<vmem>>, vector<16xi32>,
      %ge3A = arith.constant 38400 : i32
      %ge3A_111 = vector.broadcast %ge3A : i32 to vector<16xi32>
      %ge3A_112 = arith.cmpi sge, %get3A_110, %ge3A_111 : vector<16xi32>
      %sub3A = arith.constant 38400 : i32
      %sub3A_113 = vector.broadcast %sub3A : i32 to vector<16xi32>
      %sub3A_114 = arith.subi %get3A_110, %sub3A_113 : vector<16xi32>
      %select_n3A = arith.select %ge3A_112, %sub3A_114, %get3A_110 : vector<16xi1>, vector<16xi32>
      %gather3A = tpu.vector_load_idx %arg5[%select_n3A] : memref<38400xi32, #tpu.memory_space<vmem>>[vector<16xi32>], vector<16xi32>,
      %and3A = arith.constant -65536 : i32
      %and3A_115 = vector.broadcast %and3A : i32 to vector<16xi32>
      %and3A_116 = arith.andi %gather3A, %and3A_115 : vector<16xi32>
      %shift_left3A = arith.constant 16 : i32
      %shift_left3A_117 = vector.broadcast %shift_left3A : i32 to vector<16xi32>
      %shift_left3A_118 = arith.shli %gather3A, %shift_left3A_117 : vector<16xi32>
      %select_n3A_119 = arith.select %ge3A_112, %and3A_116, %shift_left3A_118 : vector<16xi1>, vector<16xi32>
      %bitcast3A = vector.bitcast %select_n3A_119 : vector<16xi32> to vector<16xf32>
      %swap3A = arith.index_cast %multiple_of3A : i32 to index
      %swap3A_120 = tpu.vector_load %arg9[%swap3A] {strides = array<i32>} : memref<4096xf32, #tpu.memory_space<vmem>>, vector<16xf32>,
      tpu.vector_store %arg9[%swap3A], %bitcast3A {strides = array<i32>} : memref<4096xf32, #tpu.memory_space<vmem>>, vector<16xf32>,
    }
    %scan3A_45 = arith.constant 256 : i32
    %add3A_46 = arith.constant 64 : i32
    %add3A_47 = arith.addi %add3A, %add3A_46 : i32
    %dma_start3A_48 = arith.constant 0 : i32
    %dma_start3A_49 = tpu.memref_slice %arg2[%add3A_47, %dma_start3A_48] : memref<100x38400xi32, #tpu.memory_space<hbm>> -> memref<1x38400xi32, #tpu.memory_space<hbm>>
    %dma_start3A_50 = tpu.memref_squeeze %dma_start3A_49 : memref<1x38400xi32, #tpu.memory_space<hbm>> -> memref<38400xi32, #tpu.memory_space<hbm>>
    %dma_start3A_51 = arith.constant 0 : i32
    %dma_start3A_52 = tpu.memref_slice %arg2[%add3A_47, %dma_start3A_51] : memref<100x38400xi32, #tpu.memory_space<hbm>> -> memref<1x38400xi32, #tpu.memory_space<hbm>>
    %dma_start3A_53 = tpu.memref_squeeze %dma_start3A_52 : memref<1x38400xi32, #tpu.memory_space<hbm>> -> memref<38400xi32, #tpu.memory_space<hbm>>
    tpu.enqueue_dma source(%dma_start3A_53 : memref<38400xi32, #tpu.memory_space<hbm>>) target(%arg5 : memref<38400xi32, #tpu.memory_space<vmem>>) target_semaphore(%arg10 : memref<!tpu.dma_semaphore, #tpu.memory_space<semaphore_mem>>)
    %dma_start3A_54 = arith.constant 0 : i32
    %dma_start3A_55 = tpu.memref_slice %arg3[%add3A_47, %dma_start3A_54] : memref<100x4096xi32, #tpu.memory_space<hbm>> -> memref<1x4096xi32, #tpu.memory_space<hbm>>
    %dma_start3A_56 = tpu.memref_squeeze %dma_start3A_55 : memref<1x4096xi32, #tpu.memory_space<hbm>> -> memref<4096xi32, #tpu.memory_space<hbm>>
    %dma_start3A_57 = arith.constant 0 : i32
    %dma_start3A_58 = tpu.memref_slice %arg3[%add3A_47, %dma_start3A_57] : memref<100x4096xi32, #tpu.memory_space<hbm>> -> memref<1x4096xi32, #tpu.memory_space<hbm>>
    %dma_start3A_59 = tpu.memref_squeeze %dma_start3A_58 : memref<1x4096xi32, #tpu.memory_space<hbm>> -> memref<4096xi32, #tpu.memory_space<hbm>>
    tpu.enqueue_dma source(%dma_start3A_59 : memref<4096xi32, #tpu.memory_space<hbm>>) target(%arg7 : memref<4096xi32, #tpu.memory_space<vmem>>) target_semaphore(%arg12 : memref<!tpu.dma_semaphore, #tpu.memory_space<semaphore_mem>>)
    %add3A_60 = arith.constant 32 : i32
    %add3A_61 = arith.addi %add3A, %add3A_60 : i32
    %dma_wait3A_62 = arith.constant 0 : i32
    %dma_wait3A_63 = tpu.memref_slice %arg2[%add3A_61, %dma_wait3A_62] : memref<100x38400xi32, #tpu.memory_space<hbm>> -> memref<1x38400xi32, #tpu.memory_space<hbm>>
    %dma_wait3A_64 = tpu.memref_squeeze %dma_wait3A_63 : memref<1x38400xi32, #tpu.memory_space<hbm>> -> memref<38400xi32, #tpu.memory_space<hbm>>
    %dma_wait3A_65 = arith.constant 0 : i32
    %dma_wait3A_66 = tpu.memref_slice %arg2[%add3A_61, %dma_wait3A_65] : memref<100x38400xi32, #tpu.memory_space<hbm>> -> memref<1x38400xi32, #tpu.memory_space<hbm>>
    %dma_wait3A_67 = tpu.memref_squeeze %dma_wait3A_66 : memref<1x38400xi32, #tpu.memory_space<hbm>> -> memref<38400xi32, #tpu.memory_space<hbm>>
    tpu.wait_dma2 semaphore(%arg11 : memref<!tpu.dma_semaphore, #tpu.memory_space<semaphore_mem>>) src(%dma_wait3A_67 : memref<38400xi32, #tpu.memory_space<hbm>>) dst(%arg6 : memref<38400xi32, #tpu.memory_space<vmem>>)
    %dma_wait3A_68 = arith.constant 0 : i32
    %dma_wait3A_69 = tpu.memref_slice %arg3[%add3A_61, %dma_wait3A_68] : memref<100x4096xi32, #tpu.memory_space<hbm>> -> memref<1x4096xi32, #tpu.memory_space<hbm>>
    %dma_wait3A_70 = tpu.memref_squeeze %dma_wait3A_69 : memref<1x4096xi32, #tpu.memory_space<hbm>> -> memref<4096xi32, #tpu.memory_space<hbm>>
    %dma_wait3A_71 = arith.constant 0 : i32
    %dma_wait3A_72 = tpu.memref_slice %arg3[%add3A_61, %dma_wait3A_71] : memref<100x4096xi32, #tpu.memory_space<hbm>> -> memref<1x4096xi32, #tpu.memory_space<hbm>>
    %dma_wait3A_73 = tpu.memref_squeeze %dma_wait3A_72 : memref<1x4096xi32, #tpu.memory_space<hbm>> -> memref<4096xi32, #tpu.memory_space<hbm>>
    tpu.wait_dma2 semaphore(%arg13 : memref<!tpu.dma_semaphore, #tpu.memory_space<semaphore_mem>>) src(%dma_wait3A_73 : memref<4096xi32, #tpu.memory_space<hbm>>) dst(%arg8 : memref<4096xi32, #tpu.memory_space<vmem>>)
    %scan3A_74 = arith.constant 0 : i32
    %scan3A_75 = arith.constant 0 : i32
    %scan3A_76 = arith.constant 256 : i32
    %scan3A_77 = arith.addi %scan3A_75, %scan3A_76 : i32
    %scan3A_78 = arith.constant 1 : i32
    scf.for %scan3A_107 = %scan3A_75 to %scan3A_77 step %scan3A_78  : i32 {
      %mul3A_108 = arith.constant 16 : i32
      %mul3A_109 = arith.muli %scan3A_107, %mul3A_108 : i32
      %multiple_of3A = tpu.assume_multiple %mul3A_109, 16 : i32
      %get3A = arith.index_cast %multiple_of3A : i32 to index
      %get3A_110 = tpu.vector_load %arg8[%get3A] {strides = array<i32>} : memref<4096xi32, #tpu.memory_space<vmem>>, vector<16xi32>,
      %ge3A = arith.constant 38400 : i32
      %ge3A_111 = vector.broadcast %ge3A : i32 to vector<16xi32>
      %ge3A_112 = arith.cmpi sge, %get3A_110, %ge3A_111 : vector<16xi32>
      %sub3A = arith.constant 38400 : i32
      %sub3A_113 = vector.broadcast %sub3A : i32 to vector<16xi32>
      %sub3A_114 = arith.subi %get3A_110, %sub3A_113 : vector<16xi32>
      %select_n3A = arith.select %ge3A_112, %sub3A_114, %get3A_110 : vector<16xi1>, vector<16xi32>
      %gather3A = tpu.vector_load_idx %arg6[%select_n3A] : memref<38400xi32, #tpu.memory_space<vmem>>[vector<16xi32>], vector<16xi32>,
      %and3A = arith.constant -65536 : i32
      %and3A_115 = vector.broadcast %and3A : i32 to vector<16xi32>
      %and3A_116 = arith.andi %gather3A, %and3A_115 : vector<16xi32>
      %shift_left3A = arith.constant 16 : i32
      %shift_left3A_117 = vector.broadcast %shift_left3A : i32 to vector<16xi32>
      %shift_left3A_118 = arith.shli %gather3A, %shift_left3A_117 : vector<16xi32>
      %select_n3A_119 = arith.select %ge3A_112, %and3A_116, %shift_left3A_118 : vector<16xi1>, vector<16xi32>
      %bitcast3A = vector.bitcast %select_n3A_119 : vector<16xi32> to vector<16xf32>
      %get3A_120 = arith.index_cast %multiple_of3A : i32 to index
      %get3A_121 = tpu.vector_load %arg9[%get3A_120] {strides = array<i32>} : memref<4096xf32, #tpu.memory_space<vmem>>, vector<16xf32>,
      %add3A_122 = arith.addf %get3A_121, %bitcast3A : vector<16xf32>
      %swap3A = arith.index_cast %multiple_of3A : i32 to index
      %swap3A_123 = tpu.vector_load %arg9[%swap3A] {strides = array<i32>} : memref<4096xf32, #tpu.memory_space<vmem>>, vector<16xf32>,
      tpu.vector_store %arg9[%swap3A], %add3A_122 {strides = array<i32>} : memref<4096xf32, #tpu.memory_space<vmem>>, vector<16xf32>,
    }
    %scan3A_79 = arith.constant 256 : i32
    %lt3A = arith.constant 4 : i32
    %lt3A_80 = arith.cmpi slt, %add3A, %lt3A : i32
    %convert_element_type3A = arith.extui %lt3A_80 : i1 to i32
    %cond3A = arith.constant 0 : i32
    %cond3A_81 = arith.cmpi ne, %convert_element_type3A, %cond3A : i32
    scf.if %cond3A_81 {
      %add3A_107 = arith.constant 96 : i32
      %add3A_108 = arith.addi %add3A, %add3A_107 : i32
      %dma_start3A_109 = arith.constant 0 : i32
      %dma_start3A_110 = tpu.memref_slice %arg2[%add3A_108, %dma_start3A_109] : memref<100x38400xi32, #tpu.memory_space<hbm>> -> memref<1x38400xi32, #tpu.memory_space<hbm>>
      %dma_start3A_111 = tpu.memref_squeeze %dma_start3A_110 : memref<1x38400xi32, #tpu.memory_space<hbm>> -> memref<38400xi32, #tpu.memory_space<hbm>>
      %dma_start3A_112 = arith.constant 0 : i32
      %dma_start3A_113 = tpu.memref_slice %arg2[%add3A_108, %dma_start3A_112] : memref<100x38400xi32, #tpu.memory_space<hbm>> -> memref<1x38400xi32, #tpu.memory_space<hbm>>
      %dma_start3A_114 = tpu.memref_squeeze %dma_start3A_113 : memref<1x38400xi32, #tpu.memory_space<hbm>> -> memref<38400xi32, #tpu.memory_space<hbm>>
      tpu.enqueue_dma source(%dma_start3A_114 : memref<38400xi32, #tpu.memory_space<hbm>>) target(%arg6 : memref<38400xi32, #tpu.memory_space<vmem>>) target_semaphore(%arg11 : memref<!tpu.dma_semaphore, #tpu.memory_space<semaphore_mem>>)
      %dma_start3A_115 = arith.constant 0 : i32
      %dma_start3A_116 = tpu.memref_slice %arg3[%add3A_108, %dma_start3A_115] : memref<100x4096xi32, #tpu.memory_space<hbm>> -> memref<1x4096xi32, #tpu.memory_space<hbm>>
      %dma_start3A_117 = tpu.memref_squeeze %dma_start3A_116 : memref<1x4096xi32, #tpu.memory_space<hbm>> -> memref<4096xi32, #tpu.memory_space<hbm>>
      %dma_start3A_118 = arith.constant 0 : i32
      %dma_start3A_119 = tpu.memref_slice %arg3[%add3A_108, %dma_start3A_118] : memref<100x4096xi32, #tpu.memory_space<hbm>> -> memref<1x4096xi32, #tpu.memory_space<hbm>>
      %dma_start3A_120 = tpu.memref_squeeze %dma_start3A_119 : memref<1x4096xi32, #tpu.memory_space<hbm>> -> memref<4096xi32, #tpu.memory_space<hbm>>
      tpu.enqueue_dma source(%dma_start3A_120 : memref<4096xi32, #tpu.memory_space<hbm>>) target(%arg8 : memref<4096xi32, #tpu.memory_space<vmem>>) target_semaphore(%arg13 : memref<!tpu.dma_semaphore, #tpu.memory_space<semaphore_mem>>)
    } else {
    }
    %add3A_82 = arith.constant 64 : i32
    %add3A_83 = arith.addi %add3A, %add3A_82 : i32
    %dma_wait3A_84 = arith.constant 0 : i32
    %dma_wait3A_85 = tpu.memref_slice %arg2[%add3A_83, %dma_wait3A_84] : memref<100x38400xi32, #tpu.memory_space<hbm>> -> memref<1x38400xi32, #tpu.memory_space<hbm>>
    %dma_wait3A_86 = tpu.memref_squeeze %dma_wait3A_85 : memref<1x38400xi32, #tpu.memory_space<hbm>> -> memref<38400xi32, #tpu.memory_space<hbm>>
    %dma_wait3A_87 = arith.constant 0 : i32
    %dma_wait3A_88 = tpu.memref_slice %arg2[%add3A_83, %dma_wait3A_87] : memref<100x38400xi32, #tpu.memory_space<hbm>> -> memref<1x38400xi32, #tpu.memory_space<hbm>>
    %dma_wait3A_89 = tpu.memref_squeeze %dma_wait3A_88 : memref<1x38400xi32, #tpu.memory_space<hbm>> -> memref<38400xi32, #tpu.memory_space<hbm>>
    tpu.wait_dma2 semaphore(%arg10 : memref<!tpu.dma_semaphore, #tpu.memory_space<semaphore_mem>>) src(%dma_wait3A_89 : memref<38400xi32, #tpu.memory_space<hbm>>) dst(%arg5 : memref<38400xi32, #tpu.memory_space<vmem>>)
    %dma_wait3A_90 = arith.constant 0 : i32
    %dma_wait3A_91 = tpu.memref_slice %arg3[%add3A_83, %dma_wait3A_90] : memref<100x4096xi32, #tpu.memory_space<hbm>> -> memref<1x4096xi32, #tpu.memory_space<hbm>>
    %dma_wait3A_92 = tpu.memref_squeeze %dma_wait3A_91 : memref<1x4096xi32, #tpu.memory_space<hbm>> -> memref<4096xi32, #tpu.memory_space<hbm>>
    %dma_wait3A_93 = arith.constant 0 : i32
    %dma_wait3A_94 = tpu.memref_slice %arg3[%add3A_83, %dma_wait3A_93] : memref<100x4096xi32, #tpu.memory_space<hbm>> -> memref<1x4096xi32, #tpu.memory_space<hbm>>
    %dma_wait3A_95 = tpu.memref_squeeze %dma_wait3A_94 : memref<1x4096xi32, #tpu.memory_space<hbm>> -> memref<4096xi32, #tpu.memory_space<hbm>>
    tpu.wait_dma2 semaphore(%arg12 : memref<!tpu.dma_semaphore, #tpu.memory_space<semaphore_mem>>) src(%dma_wait3A_95 : memref<4096xi32, #tpu.memory_space<hbm>>) dst(%arg7 : memref<4096xi32, #tpu.memory_space<vmem>>)
    %scan3A_96 = arith.constant 0 : i32
    %scan3A_97 = arith.constant 0 : i32
    %scan3A_98 = arith.constant 256 : i32
    %scan3A_99 = arith.addi %scan3A_97, %scan3A_98 : i32
    %scan3A_100 = arith.constant 1 : i32
    scf.for %scan3A_107 = %scan3A_97 to %scan3A_99 step %scan3A_100  : i32 {
      %mul3A_108 = arith.constant 16 : i32
      %mul3A_109 = arith.muli %scan3A_107, %mul3A_108 : i32
      %multiple_of3A = tpu.assume_multiple %mul3A_109, 16 : i32
      %get3A = arith.index_cast %multiple_of3A : i32 to index
      %get3A_110 = tpu.vector_load %arg7[%get3A] {strides = array<i32>} : memref<4096xi32, #tpu.memory_space<vmem>>, vector<16xi32>,
      %ge3A = arith.constant 38400 : i32
      %ge3A_111 = vector.broadcast %ge3A : i32 to vector<16xi32>
      %ge3A_112 = arith.cmpi sge, %get3A_110, %ge3A_111 : vector<16xi32>
      %sub3A = arith.constant 38400 : i32
      %sub3A_113 = vector.broadcast %sub3A : i32 to vector<16xi32>
      %sub3A_114 = arith.subi %get3A_110, %sub3A_113 : vector<16xi32>
      %select_n3A = arith.select %ge3A_112, %sub3A_114, %get3A_110 : vector<16xi1>, vector<16xi32>
      %gather3A = tpu.vector_load_idx %arg5[%select_n3A] : memref<38400xi32, #tpu.memory_space<vmem>>[vector<16xi32>], vector<16xi32>,
      %and3A = arith.constant -65536 : i32
      %and3A_115 = vector.broadcast %and3A : i32 to vector<16xi32>
      %and3A_116 = arith.andi %gather3A, %and3A_115 : vector<16xi32>
      %shift_left3A = arith.constant 16 : i32
      %shift_left3A_117 = vector.broadcast %shift_left3A : i32 to vector<16xi32>
      %shift_left3A_118 = arith.shli %gather3A, %shift_left3A_117 : vector<16xi32>
      %select_n3A_119 = arith.select %ge3A_112, %and3A_116, %shift_left3A_118 : vector<16xi1>, vector<16xi32>
      %bitcast3A = vector.bitcast %select_n3A_119 : vector<16xi32> to vector<16xf32>
      %get3A_120 = arith.index_cast %multiple_of3A : i32 to index
      %get3A_121 = tpu.vector_load %arg9[%get3A_120] {strides = array<i32>} : memref<4096xf32, #tpu.memory_space<vmem>>, vector<16xf32>,
      %add3A_122 = arith.addf %get3A_121, %bitcast3A : vector<16xf32>
      %swap3A = arith.index_cast %multiple_of3A : i32 to index
      %swap3A_123 = tpu.vector_load %arg9[%swap3A] {strides = array<i32>} : memref<4096xf32, #tpu.memory_space<vmem>>, vector<16xf32>,
      tpu.vector_store %arg9[%swap3A], %add3A_122 {strides = array<i32>} : memref<4096xf32, #tpu.memory_space<vmem>>, vector<16xf32>,
    }
    %scan3A_101 = arith.constant 256 : i32
    %lt3A_102 = arith.constant 4 : i32
    %lt3A_103 = arith.cmpi slt, %add3A, %lt3A_102 : i32
    %convert_element_type3A_104 = arith.extui %lt3A_103 : i1 to i32
    %cond3A_105 = arith.constant 0 : i32
    %cond3A_106 = arith.cmpi ne, %convert_element_type3A_104, %cond3A_105 : i32
    scf.if %cond3A_106 {
      %add3A_107 = arith.constant 96 : i32
      %add3A_108 = arith.addi %add3A, %add3A_107 : i32
      %dma_wait3A_109 = arith.constant 0 : i32
      %dma_wait3A_110 = tpu.memref_slice %arg2[%add3A_108, %dma_wait3A_109] : memref<100x38400xi32, #tpu.memory_space<hbm>> -> memref<1x38400xi32, #tpu.memory_space<hbm>>
      %dma_wait3A_111 = tpu.memref_squeeze %dma_wait3A_110 : memref<1x38400xi32, #tpu.memory_space<hbm>> -> memref<38400xi32, #tpu.memory_space<hbm>>
      %dma_wait3A_112 = arith.constant 0 : i32
      %dma_wait3A_113 = tpu.memref_slice %arg2[%add3A_108, %dma_wait3A_112] : memref<100x38400xi32, #tpu.memory_space<hbm>> -> memref<1x38400xi32, #tpu.memory_space<hbm>>
      %dma_wait3A_114 = tpu.memref_squeeze %dma_wait3A_113 : memref<1x38400xi32, #tpu.memory_space<hbm>> -> memref<38400xi32, #tpu.memory_space<hbm>>
      tpu.wait_dma2 semaphore(%arg11 : memref<!tpu.dma_semaphore, #tpu.memory_space<semaphore_mem>>) src(%dma_wait3A_114 : memref<38400xi32, #tpu.memory_space<hbm>>) dst(%arg6 : memref<38400xi32, #tpu.memory_space<vmem>>)
      %dma_wait3A_115 = arith.constant 0 : i32
      %dma_wait3A_116 = tpu.memref_slice %arg3[%add3A_108, %dma_wait3A_115] : memref<100x4096xi32, #tpu.memory_space<hbm>> -> memref<1x4096xi32, #tpu.memory_space<hbm>>
      %dma_wait3A_117 = tpu.memref_squeeze %dma_wait3A_116 : memref<1x4096xi32, #tpu.memory_space<hbm>> -> memref<4096xi32, #tpu.memory_space<hbm>>
      %dma_wait3A_118 = arith.constant 0 : i32
      %dma_wait3A_119 = tpu.memref_slice %arg3[%add3A_108, %dma_wait3A_118] : memref<100x4096xi32, #tpu.memory_space<hbm>> -> memref<1x4096xi32, #tpu.memory_space<hbm>>
      %dma_wait3A_120 = tpu.memref_squeeze %dma_wait3A_119 : memref<1x4096xi32, #tpu.memory_space<hbm>> -> memref<4096xi32, #tpu.memory_space<hbm>>
      tpu.wait_dma2 semaphore(%arg13 : memref<!tpu.dma_semaphore, #tpu.memory_space<semaphore_mem>>) src(%dma_wait3A_120 : memref<4096xi32, #tpu.memory_space<hbm>>) dst(%arg8 : memref<4096xi32, #tpu.memory_space<vmem>>)
      %scan3A_121 = arith.constant 0 : i32
      %scan3A_122 = arith.constant 0 : i32
      %scan3A_123 = arith.constant 256 : i32
      %scan3A_124 = arith.addi %scan3A_122, %scan3A_123 : i32
      %scan3A_125 = arith.constant 1 : i32
      scf.for %scan3A_127 = %scan3A_122 to %scan3A_124 step %scan3A_125  : i32 {
        %mul3A_128 = arith.constant 16 : i32
        %mul3A_129 = arith.muli %scan3A_127, %mul3A_128 : i32
        %multiple_of3A = tpu.assume_multiple %mul3A_129, 16 : i32
        %get3A = arith.index_cast %multiple_of3A : i32 to index
        %get3A_130 = tpu.vector_load %arg8[%get3A] {strides = array<i32>} : memref<4096xi32, #tpu.memory_space<vmem>>, vector<16xi32>,
        %ge3A = arith.constant 38400 : i32
        %ge3A_131 = vector.broadcast %ge3A : i32 to vector<16xi32>
        %ge3A_132 = arith.cmpi sge, %get3A_130, %ge3A_131 : vector<16xi32>
        %sub3A = arith.constant 38400 : i32
        %sub3A_133 = vector.broadcast %sub3A : i32 to vector<16xi32>
        %sub3A_134 = arith.subi %get3A_130, %sub3A_133 : vector<16xi32>
        %select_n3A = arith.select %ge3A_132, %sub3A_134, %get3A_130 : vector<16xi1>, vector<16xi32>
        %gather3A = tpu.vector_load_idx %arg6[%select_n3A] : memref<38400xi32, #tpu.memory_space<vmem>>[vector<16xi32>], vector<16xi32>,
        %and3A = arith.constant -65536 : i32
        %and3A_135 = vector.broadcast %and3A : i32 to vector<16xi32>
        %and3A_136 = arith.andi %gather3A, %and3A_135 : vector<16xi32>
        %shift_left3A = arith.constant 16 : i32
        %shift_left3A_137 = vector.broadcast %shift_left3A : i32 to vector<16xi32>
        %shift_left3A_138 = arith.shli %gather3A, %shift_left3A_137 : vector<16xi32>
        %select_n3A_139 = arith.select %ge3A_132, %and3A_136, %shift_left3A_138 : vector<16xi1>, vector<16xi32>
        %bitcast3A = vector.bitcast %select_n3A_139 : vector<16xi32> to vector<16xf32>
        %get3A_140 = arith.index_cast %multiple_of3A : i32 to index
        %get3A_141 = tpu.vector_load %arg9[%get3A_140] {strides = array<i32>} : memref<4096xf32, #tpu.memory_space<vmem>>, vector<16xf32>,
        %add3A_142 = arith.addf %get3A_141, %bitcast3A : vector<16xf32>
        %swap3A = arith.index_cast %multiple_of3A : i32 to index
        %swap3A_143 = tpu.vector_load %arg9[%swap3A] {strides = array<i32>} : memref<4096xf32, #tpu.memory_space<vmem>>, vector<16xf32>,
        tpu.vector_store %arg9[%swap3A], %add3A_142 {strides = array<i32>} : memref<4096xf32, #tpu.memory_space<vmem>>, vector<16xf32>,
      }
      %scan3A_126 = arith.constant 256 : i32
    } else {
    }
    "tpu.region"() ({
      %run_scoped3A = tpu.sem_alloc : memref<!tpu.dma_semaphore, #tpu.memory_space<semaphore_mem>>
      %dma_start3A_107 = arith.constant 0 : i32
      %dma_start3A_108 = tpu.memref_slice %arg4[%add3A, %dma_start3A_107] : memref<32x4096xf32, #tpu.memory_space<hbm>> -> memref<1x4096xf32, #tpu.memory_space<hbm>>
      %dma_start3A_109 = tpu.memref_squeeze %dma_start3A_108 : memref<1x4096xf32, #tpu.memory_space<hbm>> -> memref<4096xf32, #tpu.memory_space<hbm>>
      %dma_start3A_110 = arith.constant 0 : i32
      %dma_start3A_111 = tpu.memref_slice %arg4[%add3A, %dma_start3A_110] : memref<32x4096xf32, #tpu.memory_space<hbm>> -> memref<1x4096xf32, #tpu.memory_space<hbm>>
      %dma_start3A_112 = tpu.memref_squeeze %dma_start3A_111 : memref<1x4096xf32, #tpu.memory_space<hbm>> -> memref<4096xf32, #tpu.memory_space<hbm>>
      tpu.enqueue_dma source(%arg9 : memref<4096xf32, #tpu.memory_space<vmem>>) target(%dma_start3A_112 : memref<4096xf32, #tpu.memory_space<hbm>>) target_semaphore(%run_scoped3A : memref<!tpu.dma_semaphore, #tpu.memory_space<semaphore_mem>>)
      %dma_wait3A_113 = arith.constant 0 : i32
      %dma_wait3A_114 = tpu.memref_slice %arg4[%add3A, %dma_wait3A_113] : memref<32x4096xf32, #tpu.memory_space<hbm>> -> memref<1x4096xf32, #tpu.memory_space<hbm>>
      %dma_wait3A_115 = tpu.memref_squeeze %dma_wait3A_114 : memref<1x4096xf32, #tpu.memory_space<hbm>> -> memref<4096xf32, #tpu.memory_space<hbm>>
      %dma_wait3A_116 = arith.constant 0 : i32
      %dma_wait3A_117 = tpu.memref_slice %arg4[%add3A, %dma_wait3A_116] : memref<32x4096xf32, #tpu.memory_space<hbm>> -> memref<1x4096xf32, #tpu.memory_space<hbm>>
      %dma_wait3A_118 = tpu.memref_squeeze %dma_wait3A_117 : memref<1x4096xf32, #tpu.memory_space<hbm>> -> memref<4096xf32, #tpu.memory_space<hbm>>
      tpu.wait_dma2 semaphore(%run_scoped3A : memref<!tpu.dma_semaphore, #tpu.memory_space<semaphore_mem>>) src(%arg9 : memref<4096xf32, #tpu.memory_space<vmem>>) dst(%dma_wait3A_118 : memref<4096xf32, #tpu.memory_space<hbm>>)
      tpu.yield
    }) : () -> ()
    return
  }
}

module attributes {stable_mosaic.version = 14 : i64} {
  func.func @_combine_body(%arg0: memref<32x4096xf32, #tpu.memory_space<vmem>>, %arg1: memref<1x128xf32, #tpu.memory_space<vmem>>, %arg2: memref<1x128xf32, #tpu.memory_space<vmem>>, %arg3: memref<1x1xf32, #tpu.memory_space<vmem>>, %arg4: memref<1x4096xf32, #tpu.memory_space<vmem>>) attributes {dimension_semantics = [], scalar_prefetch = 0 : i64, scratch_operands = 0 : i64, tpu.core_type = #tpu.core_type<tc>} {
    %get3A = arith.constant 0 : index
    %get3A_0 = arith.constant 0 : index
    %get3A_1 = vector.load %arg1[%get3A, %get3A_0] : memref<1x128xf32, #tpu.memory_space<vmem>>, vector<1x128xf32>
    %get3A_2 = arith.constant 0 : index
    %get3A_3 = arith.constant 0 : index
    %get3A_4 = vector.load %arg2[%get3A_2, %get3A_3] : memref<1x128xf32, #tpu.memory_space<vmem>>, vector<1x128xf32>
    %mul3A = arith.mulf %get3A_1, %get3A_4 : vector<1x128xf32>
    %reduce_sum3A = vector.shape_cast %mul3A : vector<1x128xf32> to vector<1x1x128xf32>
    %reduce_sum3A_5 = arith.constant dense<0.000000e+00> : vector<1xf32>
    %reduce_sum3A_6 = vector.multi_reduction <add>, %reduce_sum3A, %reduce_sum3A_5 [1, 2] : vector<1x1x128xf32> to vector<1xf32>
    %reduce_sum3A_7 = vector.shape_cast %reduce_sum3A_6 : vector<1xf32> to vector<1x1x1xf32>
    %reduce_sum3A_8 = vector.extract %reduce_sum3A_7[0, 0, 0] : f32 from vector<1x1x1xf32>
    %get3A_9 = arith.constant 0 : index
    %get3A_10 = arith.constant 0 : index
    %get3A_11 = vector.load %arg3[%get3A_9, %get3A_10] : memref<1x1xf32, #tpu.memory_space<vmem>>, vector<1x1xf32>
    %get3A_12 = vector.extract %get3A_11[0, 0] : f32 from vector<1x1xf32>
    %add3A = arith.addf %reduce_sum3A_8, %get3A_12 : f32
    %get3A_13 = arith.constant 0 : index
    %get3A_14 = arith.constant 0 : index
    %get3A_15 = vector.load %arg0[%get3A_13, %get3A_14] : memref<32x4096xf32, #tpu.memory_space<vmem>>, vector<32x4096xf32>
    %reduce_sum3A_16 = arith.constant dense<0.000000e+00> : vector<4096xf32>
    %reduce_sum3A_17 = vector.multi_reduction <add>, %get3A_15, %reduce_sum3A_16 [0] : vector<32x4096xf32> to vector<4096xf32>
    %broadcast_in_dim3A = vector.shape_cast %reduce_sum3A_17 : vector<4096xf32> to vector<1x4096xf32>
    %add3A_18 = vector.broadcast %add3A : f32 to vector<1x4096xf32>
    %add3A_19 = arith.addf %broadcast_in_dim3A, %add3A_18 : vector<1x4096xf32>
    %swap3A = arith.constant 0 : index
    %swap3A_20 = arith.constant 0 : index
    %swap3A_21 = vector.load %arg4[%swap3A, %swap3A_20] : memref<1x4096xf32, #tpu.memory_space<vmem>>, vector<1x4096xf32>
    tpu.vector_store %arg4[%swap3A, %swap3A_20], %add3A_19 {strides = array<i32>} : memref<1x4096xf32, #tpu.memory_space<vmem>>, vector<1x4096xf32>,
    return
  }
}

module attributes {stable_mosaic.version = 14 : i64} {
  func.func @_table_body(%arg0: i32, %arg1: memref<3840x300xf32, #tpu.memory_space<vmem>>, %arg2: memref<3840x300xf32, #tpu.memory_space<vmem>>, %arg3: memref<128x30000xf32, #tpu.memory_space<vmem>>, %arg4: memref<1x128xf32, #tpu.memory_space<vmem>>, %arg5: memref<100x3840xi32, #tpu.memory_space<vmem>>, %arg6: memref<100x300xf32, #tpu.memory_space<vmem>>) attributes {dimension_semantics = [#tpu.dimension_semantics<arbitrary>], iteration_bounds = array<i64: 10>, scalar_prefetch = 0 : i64, scratch_operands = 1 : i64, tpu.core_type = #tpu.core_type<tc>, window_params = [{transform_indices = @transform_0, window_bounds = array<i64: 3840, 300>}, {transform_indices = @transform_1, window_bounds = array<i64: 3840, 300>}, {pipeline_mode = #tpu.pipeline_mode<synchronous>, transform_indices = @transform_2, window_bounds = array<i64: 128, 30000>}, {pipeline_mode = #tpu.pipeline_mode<synchronous>, transform_indices = @transform_3, window_bounds = array<i64: 1, 128>}, {transform_indices = @transform_4, window_bounds = array<i64: 100, 3840>}]} {
    %eq3A = arith.constant 0 : i32
    %eq3A_0 = arith.cmpi eq, %arg0, %eq3A : i32
    %convert_element_type3A = arith.extui %eq3A_0 : i1 to i32
    %cond3A = arith.constant 0 : i32
    %cond3A_1 = arith.cmpi ne, %convert_element_type3A, %cond3A : i32
    scf.if %cond3A_1 {
      %get3A_47 = arith.constant 0 : index
      %get3A_48 = arith.constant 0 : index
      %get3A_49 = vector.load %arg4[%get3A_47, %get3A_48] : memref<1x128xf32, #tpu.memory_space<vmem>>, vector<1x128xf32>
      %get3A_50 = arith.constant 0 : index
      %get3A_51 = arith.constant 0 : index
      %get3A_52 = vector.load %arg3[%get3A_50, %get3A_51] : memref<128x30000xf32, #tpu.memory_space<vmem>>, vector<128x30000xf32>
      %dot_general3A_53 = arith.constant dense<0.000000e+00> : vector<1x30000xf32>
      %dot_general3A_54 = tpu.matmul %get3A_49, %get3A_52, %dot_general3A_53 {dimension_numbers = #tpu.dot_dimension_numbers<[1], [0], [0], [1], [0, 0, 1, 1], [], []>, transpose_lhs_hint = false} : vector<1x128xf32>, vector<128x30000xf32>, vector<1x30000xf32> -> vector<1x30000xf32>
      %slice3A = vector.extract_strided_slice %dot_general3A_54 {offsets = [0, 0], sizes = [1, 300], strides = [1, 1]} : vector<1x30000xf32> to vector<1x300xf32>
      %swap3A_55 = arith.constant 0 : index
      %swap3A_56 = arith.constant 0 : index
      %swap3A_57 = vector.load %arg6[%swap3A_55, %swap3A_56] : memref<100x300xf32, #tpu.memory_space<vmem>>, vector<1x300xf32>
      tpu.vector_store %arg6[%swap3A_55, %swap3A_56], %slice3A {strides = array<i32>} : memref<100x300xf32, #tpu.memory_space<vmem>>, vector<1x300xf32>,
      %slice3A_58 = vector.extract_strided_slice %dot_general3A_54 {offsets = [0, 300], sizes = [1, 300], strides = [1, 1]} : vector<1x30000xf32> to vector<1x300xf32>
      %swap3A_59 = arith.constant 1 : index
      %swap3A_60 = arith.constant 0 : index
      %swap3A_61 = vector.load %arg6[%swap3A_59, %swap3A_60] : memref<100x300xf32, #tpu.memory_space<vmem>>, vector<1x300xf32>
      tpu.vector_store %arg6[%swap3A_59, %swap3A_60], %slice3A_58 {strides = array<i32>} : memref<100x300xf32, #tpu.memory_space<vmem>>, vector<1x300xf32>,
      %slice3A_62 = vector.extract_strided_slice %dot_general3A_54 {offsets = [0, 600], sizes = [1, 300], strides = [1, 1]} : vector<1x30000xf32> to vector<1x300xf32>
      %swap3A_63 = arith.constant 2 : index
      %swap3A_64 = arith.constant 0 : index
      %swap3A_65 = vector.load %arg6[%swap3A_63, %swap3A_64] : memref<100x300xf32, #tpu.memory_space<vmem>>, vector<1x300xf32>
      tpu.vector_store %arg6[%swap3A_63, %swap3A_64], %slice3A_62 {strides = array<i32>} : memref<100x300xf32, #tpu.memory_space<vmem>>, vector<1x300xf32>,
      %slice3A_66 = vector.extract_strided_slice %dot_general3A_54 {offsets = [0, 900], sizes = [1, 300], strides = [1, 1]} : vector<1x30000xf32> to vector<1x300xf32>
      %swap3A_67 = arith.constant 3 : index
      %swap3A_68 = arith.constant 0 : index
      %swap3A_69 = vector.load %arg6[%swap3A_67, %swap3A_68] : memref<100x300xf32, #tpu.memory_space<vmem>>, vector<1x300xf32>
      tpu.vector_store %arg6[%swap3A_67, %swap3A_68], %slice3A_66 {strides = array<i32>} : memref<100x300xf32, #tpu.memory_space<vmem>>, vector<1x300xf32>,
      %slice3A_70 = vector.extract_strided_slice %dot_general3A_54 {offsets = [0, 1200], sizes = [1, 300], strides = [1, 1]} : vector<1x30000xf32> to vector<1x300xf32>
      %swap3A_71 = arith.constant 4 : index
      %swap3A_72 = arith.constant 0 : index
      %swap3A_73 = vector.load %arg6[%swap3A_71, %swap3A_72] : memref<100x300xf32, #tpu.memory_space<vmem>>, vector<1x300xf32>
      tpu.vector_store %arg6[%swap3A_71, %swap3A_72], %slice3A_70 {strides = array<i32>} : memref<100x300xf32, #tpu.memory_space<vmem>>, vector<1x300xf32>,
      %slice3A_74 = vector.extract_strided_slice %dot_general3A_54 {offsets = [0, 1500], sizes = [1, 300], strides = [1, 1]} : vector<1x30000xf32> to vector<1x300xf32>
      %swap3A_75 = arith.constant 5 : index
      %swap3A_76 = arith.constant 0 : index
      %swap3A_77 = vector.load %arg6[%swap3A_75, %swap3A_76] : memref<100x300xf32, #tpu.memory_space<vmem>>, vector<1x300xf32>
      tpu.vector_store %arg6[%swap3A_75, %swap3A_76], %slice3A_74 {strides = array<i32>} : memref<100x300xf32, #tpu.memory_space<vmem>>, vector<1x300xf32>,
      %slice3A_78 = vector.extract_strided_slice %dot_general3A_54 {offsets = [0, 1800], sizes = [1, 300], strides = [1, 1]} : vector<1x30000xf32> to vector<1x300xf32>
      %swap3A_79 = arith.constant 6 : index
      %swap3A_80 = arith.constant 0 : index
      %swap3A_81 = vector.load %arg6[%swap3A_79, %swap3A_80] : memref<100x300xf32, #tpu.memory_space<vmem>>, vector<1x300xf32>
      tpu.vector_store %arg6[%swap3A_79, %swap3A_80], %slice3A_78 {strides = array<i32>} : memref<100x300xf32, #tpu.memory_space<vmem>>, vector<1x300xf32>,
      %slice3A_82 = vector.extract_strided_slice %dot_general3A_54 {offsets = [0, 2100], sizes = [1, 300], strides = [1, 1]} : vector<1x30000xf32> to vector<1x300xf32>
      %swap3A_83 = arith.constant 7 : index
      %swap3A_84 = arith.constant 0 : index
      %swap3A_85 = vector.load %arg6[%swap3A_83, %swap3A_84] : memref<100x300xf32, #tpu.memory_space<vmem>>, vector<1x300xf32>
      tpu.vector_store %arg6[%swap3A_83, %swap3A_84], %slice3A_82 {strides = array<i32>} : memref<100x300xf32, #tpu.memory_space<vmem>>, vector<1x300xf32>,
      %slice3A_86 = vector.extract_strided_slice %dot_general3A_54 {offsets = [0, 2400], sizes = [1, 300], strides = [1, 1]} : vector<1x30000xf32> to vector<1x300xf32>
      %swap3A_87 = arith.constant 8 : index
      %swap3A_88 = arith.constant 0 : index
      %swap3A_89 = vector.load %arg6[%swap3A_87, %swap3A_88] : memref<100x300xf32, #tpu.memory_space<vmem>>, vector<1x300xf32>
      tpu.vector_store %arg6[%swap3A_87, %swap3A_88], %slice3A_86 {strides = array<i32>} : memref<100x300xf32, #tpu.memory_space<vmem>>, vector<1x300xf32>,
      %slice3A_90 = vector.extract_strided_slice %dot_general3A_54 {offsets = [0, 2700], sizes = [1, 300], strides = [1, 1]} : vector<1x30000xf32> to vector<1x300xf32>
      %swap3A_91 = arith.constant 9 : index
      %swap3A_92 = arith.constant 0 : index
      %swap3A_93 = vector.load %arg6[%swap3A_91, %swap3A_92] : memref<100x300xf32, #tpu.memory_space<vmem>>, vector<1x300xf32>
      tpu.vector_store %arg6[%swap3A_91, %swap3A_92], %slice3A_90 {strides = array<i32>} : memref<100x300xf32, #tpu.memory_space<vmem>>, vector<1x300xf32>,
      %slice3A_94 = vector.extract_strided_slice %dot_general3A_54 {offsets = [0, 3000], sizes = [1, 300], strides = [1, 1]} : vector<1x30000xf32> to vector<1x300xf32>
      %swap3A_95 = arith.constant 10 : index
      %swap3A_96 = arith.constant 0 : index
      %swap3A_97 = vector.load %arg6[%swap3A_95, %swap3A_96] : memref<100x300xf32, #tpu.memory_space<vmem>>, vector<1x300xf32>
      tpu.vector_store %arg6[%swap3A_95, %swap3A_96], %slice3A_94 {strides = array<i32>} : memref<100x300xf32, #tpu.memory_space<vmem>>, vector<1x300xf32>,
      %slice3A_98 = vector.extract_strided_slice %dot_general3A_54 {offsets = [0, 3300], sizes = [1, 300], strides = [1, 1]} : vector<1x30000xf32> to vector<1x300xf32>
      %swap3A_99 = arith.constant 11 : index
      %swap3A_100 = arith.constant 0 : index
      %swap3A_101 = vector.load %arg6[%swap3A_99, %swap3A_100] : memref<100x300xf32, #tpu.memory_space<vmem>>, vector<1x300xf32>
      tpu.vector_store %arg6[%swap3A_99, %swap3A_100], %slice3A_98 {strides = array<i32>} : memref<100x300xf32, #tpu.memory_space<vmem>>, vector<1x300xf32>,
      %slice3A_102 = vector.extract_strided_slice %dot_general3A_54 {offsets = [0, 3600], sizes = [1, 300], strides = [1, 1]} : vector<1x30000xf32> to vector<1x300xf32>
      %swap3A_103 = arith.constant 12 : index
      %swap3A_104 = arith.constant 0 : index
      %swap3A_105 = vector.load %arg6[%swap3A_103, %swap3A_104] : memref<100x300xf32, #tpu.memory_space<vmem>>, vector<1x300xf32>
      tpu.vector_store %arg6[%swap3A_103, %swap3A_104], %slice3A_102 {strides = array<i32>} : memref<100x300xf32, #tpu.memory_space<vmem>>, vector<1x300xf32>,
      %slice3A_106 = vector.extract_strided_slice %dot_general3A_54 {offsets = [0, 3900], sizes = [1, 300], strides = [1, 1]} : vector<1x30000xf32> to vector<1x300xf32>
      %swap3A_107 = arith.constant 13 : index
      %swap3A_108 = arith.constant 0 : index
      %swap3A_109 = vector.load %arg6[%swap3A_107, %swap3A_108] : memref<100x300xf32, #tpu.memory_space<vmem>>, vector<1x300xf32>
      tpu.vector_store %arg6[%swap3A_107, %swap3A_108], %slice3A_106 {strides = array<i32>} : memref<100x300xf32, #tpu.memory_space<vmem>>, vector<1x300xf32>,
      %slice3A_110 = vector.extract_strided_slice %dot_general3A_54 {offsets = [0, 4200], sizes = [1, 300], strides = [1, 1]} : vector<1x30000xf32> to vector<1x300xf32>
      %swap3A_111 = arith.constant 14 : index
      %swap3A_112 = arith.constant 0 : index
      %swap3A_113 = vector.load %arg6[%swap3A_111, %swap3A_112] : memref<100x300xf32, #tpu.memory_space<vmem>>, vector<1x300xf32>
      tpu.vector_store %arg6[%swap3A_111, %swap3A_112], %slice3A_110 {strides = array<i32>} : memref<100x300xf32, #tpu.memory_space<vmem>>, vector<1x300xf32>,
      %slice3A_114 = vector.extract_strided_slice %dot_general3A_54 {offsets = [0, 4500], sizes = [1, 300], strides = [1, 1]} : vector<1x30000xf32> to vector<1x300xf32>
      %swap3A_115 = arith.constant 15 : index
      %swap3A_116 = arith.constant 0 : index
      %swap3A_117 = vector.load %arg6[%swap3A_115, %swap3A_116] : memref<100x300xf32, #tpu.memory_space<vmem>>, vector<1x300xf32>
      tpu.vector_store %arg6[%swap3A_115, %swap3A_116], %slice3A_114 {strides = array<i32>} : memref<100x300xf32, #tpu.memory_space<vmem>>, vector<1x300xf32>,
      %slice3A_118 = vector.extract_strided_slice %dot_general3A_54 {offsets = [0, 4800], sizes = [1, 300], strides = [1, 1]} : vector<1x30000xf32> to vector<1x300xf32>
      %swap3A_119 = arith.constant 16 : index
      %swap3A_120 = arith.constant 0 : index
      %swap3A_121 = vector.load %arg6[%swap3A_119, %swap3A_120] : memref<100x300xf32, #tpu.memory_space<vmem>>, vector<1x300xf32>
      tpu.vector_store %arg6[%swap3A_119, %swap3A_120], %slice3A_118 {strides = array<i32>} : memref<100x300xf32, #tpu.memory_space<vmem>>, vector<1x300xf32>,
      %slice3A_122 = vector.extract_strided_slice %dot_general3A_54 {offsets = [0, 5100], sizes = [1, 300], strides = [1, 1]} : vector<1x30000xf32> to vector<1x300xf32>
      %swap3A_123 = arith.constant 17 : index
      %swap3A_124 = arith.constant 0 : index
      %swap3A_125 = vector.load %arg6[%swap3A_123, %swap3A_124] : memref<100x300xf32, #tpu.memory_space<vmem>>, vector<1x300xf32>
      tpu.vector_store %arg6[%swap3A_123, %swap3A_124], %slice3A_122 {strides = array<i32>} : memref<100x300xf32, #tpu.memory_space<vmem>>, vector<1x300xf32>,
      %slice3A_126 = vector.extract_strided_slice %dot_general3A_54 {offsets = [0, 5400], sizes = [1, 300], strides = [1, 1]} : vector<1x30000xf32> to vector<1x300xf32>
      %swap3A_127 = arith.constant 18 : index
      %swap3A_128 = arith.constant 0 : index
      %swap3A_129 = vector.load %arg6[%swap3A_127, %swap3A_128] : memref<100x300xf32, #tpu.memory_space<vmem>>, vector<1x300xf32>
      tpu.vector_store %arg6[%swap3A_127, %swap3A_128], %slice3A_126 {strides = array<i32>} : memref<100x300xf32, #tpu.memory_space<vmem>>, vector<1x300xf32>,
      %slice3A_130 = vector.extract_strided_slice %dot_general3A_54 {offsets = [0, 5700], sizes = [1, 300], strides = [1, 1]} : vector<1x30000xf32> to vector<1x300xf32>
      %swap3A_131 = arith.constant 19 : index
      %swap3A_132 = arith.constant 0 : index
      %swap3A_133 = vector.load %arg6[%swap3A_131, %swap3A_132] : memref<100x300xf32, #tpu.memory_space<vmem>>, vector<1x300xf32>
      tpu.vector_store %arg6[%swap3A_131, %swap3A_132], %slice3A_130 {strides = array<i32>} : memref<100x300xf32, #tpu.memory_space<vmem>>, vector<1x300xf32>,
      %slice3A_134 = vector.extract_strided_slice %dot_general3A_54 {offsets = [0, 6000], sizes = [1, 300], strides = [1, 1]} : vector<1x30000xf32> to vector<1x300xf32>
      %swap3A_135 = arith.constant 20 : index
      %swap3A_136 = arith.constant 0 : index
      %swap3A_137 = vector.load %arg6[%swap3A_135, %swap3A_136] : memref<100x300xf32, #tpu.memory_space<vmem>>, vector<1x300xf32>
      tpu.vector_store %arg6[%swap3A_135, %swap3A_136], %slice3A_134 {strides = array<i32>} : memref<100x300xf32, #tpu.memory_space<vmem>>, vector<1x300xf32>,
      %slice3A_138 = vector.extract_strided_slice %dot_general3A_54 {offsets = [0, 6300], sizes = [1, 300], strides = [1, 1]} : vector<1x30000xf32> to vector<1x300xf32>
      %swap3A_139 = arith.constant 21 : index
      %swap3A_140 = arith.constant 0 : index
      %swap3A_141 = vector.load %arg6[%swap3A_139, %swap3A_140] : memref<100x300xf32, #tpu.memory_space<vmem>>, vector<1x300xf32>
      tpu.vector_store %arg6[%swap3A_139, %swap3A_140], %slice3A_138 {strides = array<i32>} : memref<100x300xf32, #tpu.memory_space<vmem>>, vector<1x300xf32>,
      %slice3A_142 = vector.extract_strided_slice %dot_general3A_54 {offsets = [0, 6600], sizes = [1, 300], strides = [1, 1]} : vector<1x30000xf32> to vector<1x300xf32>
      %swap3A_143 = arith.constant 22 : index
      %swap3A_144 = arith.constant 0 : index
      %swap3A_145 = vector.load %arg6[%swap3A_143, %swap3A_144] : memref<100x300xf32, #tpu.memory_space<vmem>>, vector<1x300xf32>
      tpu.vector_store %arg6[%swap3A_143, %swap3A_144], %slice3A_142 {strides = array<i32>} : memref<100x300xf32, #tpu.memory_space<vmem>>, vector<1x300xf32>,
      %slice3A_146 = vector.extract_strided_slice %dot_general3A_54 {offsets = [0, 6900], sizes = [1, 300], strides = [1, 1]} : vector<1x30000xf32> to vector<1x300xf32>
      %swap3A_147 = arith.constant 23 : index
      %swap3A_148 = arith.constant 0 : index
      %swap3A_149 = vector.load %arg6[%swap3A_147, %swap3A_148] : memref<100x300xf32, #tpu.memory_space<vmem>>, vector<1x300xf32>
      tpu.vector_store %arg6[%swap3A_147, %swap3A_148], %slice3A_146 {strides = array<i32>} : memref<100x300xf32, #tpu.memory_space<vmem>>, vector<1x300xf32>,
      %slice3A_150 = vector.extract_strided_slice %dot_general3A_54 {offsets = [0, 7200], sizes = [1, 300], strides = [1, 1]} : vector<1x30000xf32> to vector<1x300xf32>
      %swap3A_151 = arith.constant 24 : index
      %swap3A_152 = arith.constant 0 : index
      %swap3A_153 = vector.load %arg6[%swap3A_151, %swap3A_152] : memref<100x300xf32, #tpu.memory_space<vmem>>, vector<1x300xf32>
      tpu.vector_store %arg6[%swap3A_151, %swap3A_152], %slice3A_150 {strides = array<i32>} : memref<100x300xf32, #tpu.memory_space<vmem>>, vector<1x300xf32>,
      %slice3A_154 = vector.extract_strided_slice %dot_general3A_54 {offsets = [0, 7500], sizes = [1, 300], strides = [1, 1]} : vector<1x30000xf32> to vector<1x300xf32>
      %swap3A_155 = arith.constant 25 : index
      %swap3A_156 = arith.constant 0 : index
      %swap3A_157 = vector.load %arg6[%swap3A_155, %swap3A_156] : memref<100x300xf32, #tpu.memory_space<vmem>>, vector<1x300xf32>
      tpu.vector_store %arg6[%swap3A_155, %swap3A_156], %slice3A_154 {strides = array<i32>} : memref<100x300xf32, #tpu.memory_space<vmem>>, vector<1x300xf32>,
      %slice3A_158 = vector.extract_strided_slice %dot_general3A_54 {offsets = [0, 7800], sizes = [1, 300], strides = [1, 1]} : vector<1x30000xf32> to vector<1x300xf32>
      %swap3A_159 = arith.constant 26 : index
      %swap3A_160 = arith.constant 0 : index
      %swap3A_161 = vector.load %arg6[%swap3A_159, %swap3A_160] : memref<100x300xf32, #tpu.memory_space<vmem>>, vector<1x300xf32>
      tpu.vector_store %arg6[%swap3A_159, %swap3A_160], %slice3A_158 {strides = array<i32>} : memref<100x300xf32, #tpu.memory_space<vmem>>, vector<1x300xf32>,
      %slice3A_162 = vector.extract_strided_slice %dot_general3A_54 {offsets = [0, 8100], sizes = [1, 300], strides = [1, 1]} : vector<1x30000xf32> to vector<1x300xf32>
      %swap3A_163 = arith.constant 27 : index
      %swap3A_164 = arith.constant 0 : index
      %swap3A_165 = vector.load %arg6[%swap3A_163, %swap3A_164] : memref<100x300xf32, #tpu.memory_space<vmem>>, vector<1x300xf32>
      tpu.vector_store %arg6[%swap3A_163, %swap3A_164], %slice3A_162 {strides = array<i32>} : memref<100x300xf32, #tpu.memory_space<vmem>>, vector<1x300xf32>,
      %slice3A_166 = vector.extract_strided_slice %dot_general3A_54 {offsets = [0, 8400], sizes = [1, 300], strides = [1, 1]} : vector<1x30000xf32> to vector<1x300xf32>
      %swap3A_167 = arith.constant 28 : index
      %swap3A_168 = arith.constant 0 : index
      %swap3A_169 = vector.load %arg6[%swap3A_167, %swap3A_168] : memref<100x300xf32, #tpu.memory_space<vmem>>, vector<1x300xf32>
      tpu.vector_store %arg6[%swap3A_167, %swap3A_168], %slice3A_166 {strides = array<i32>} : memref<100x300xf32, #tpu.memory_space<vmem>>, vector<1x300xf32>,
      %slice3A_170 = vector.extract_strided_slice %dot_general3A_54 {offsets = [0, 8700], sizes = [1, 300], strides = [1, 1]} : vector<1x30000xf32> to vector<1x300xf32>
      %swap3A_171 = arith.constant 29 : index
      %swap3A_172 = arith.constant 0 : index
      %swap3A_173 = vector.load %arg6[%swap3A_171, %swap3A_172] : memref<100x300xf32, #tpu.memory_space<vmem>>, vector<1x300xf32>
      tpu.vector_store %arg6[%swap3A_171, %swap3A_172], %slice3A_170 {strides = array<i32>} : memref<100x300xf32, #tpu.memory_space<vmem>>, vector<1x300xf32>,
      %slice3A_174 = vector.extract_strided_slice %dot_general3A_54 {offsets = [0, 9000], sizes = [1, 300], strides = [1, 1]} : vector<1x30000xf32> to vector<1x300xf32>
      %swap3A_175 = arith.constant 30 : index
      %swap3A_176 = arith.constant 0 : index
      %swap3A_177 = vector.load %arg6[%swap3A_175, %swap3A_176] : memref<100x300xf32, #tpu.memory_space<vmem>>, vector<1x300xf32>
      tpu.vector_store %arg6[%swap3A_175, %swap3A_176], %slice3A_174 {strides = array<i32>} : memref<100x300xf32, #tpu.memory_space<vmem>>, vector<1x300xf32>,
      %slice3A_178 = vector.extract_strided_slice %dot_general3A_54 {offsets = [0, 9300], sizes = [1, 300], strides = [1, 1]} : vector<1x30000xf32> to vector<1x300xf32>
      %swap3A_179 = arith.constant 31 : index
      %swap3A_180 = arith.constant 0 : index
      %swap3A_181 = vector.load %arg6[%swap3A_179, %swap3A_180] : memref<100x300xf32, #tpu.memory_space<vmem>>, vector<1x300xf32>
      tpu.vector_store %arg6[%swap3A_179, %swap3A_180], %slice3A_178 {strides = array<i32>} : memref<100x300xf32, #tpu.memory_space<vmem>>, vector<1x300xf32>,
      %slice3A_182 = vector.extract_strided_slice %dot_general3A_54 {offsets = [0, 9600], sizes = [1, 300], strides = [1, 1]} : vector<1x30000xf32> to vector<1x300xf32>
      %swap3A_183 = arith.constant 32 : index
      %swap3A_184 = arith.constant 0 : index
      %swap3A_185 = vector.load %arg6[%swap3A_183, %swap3A_184] : memref<100x300xf32, #tpu.memory_space<vmem>>, vector<1x300xf32>
      tpu.vector_store %arg6[%swap3A_183, %swap3A_184], %slice3A_182 {strides = array<i32>} : memref<100x300xf32, #tpu.memory_space<vmem>>, vector<1x300xf32>,
      %slice3A_186 = vector.extract_strided_slice %dot_general3A_54 {offsets = [0, 9900], sizes = [1, 300], strides = [1, 1]} : vector<1x30000xf32> to vector<1x300xf32>
      %swap3A_187 = arith.constant 33 : index
      %swap3A_188 = arith.constant 0 : index
      %swap3A_189 = vector.load %arg6[%swap3A_187, %swap3A_188] : memref<100x300xf32, #tpu.memory_space<vmem>>, vector<1x300xf32>
      tpu.vector_store %arg6[%swap3A_187, %swap3A_188], %slice3A_186 {strides = array<i32>} : memref<100x300xf32, #tpu.memory_space<vmem>>, vector<1x300xf32>,
      %slice3A_190 = vector.extract_strided_slice %dot_general3A_54 {offsets = [0, 10200], sizes = [1, 300], strides = [1, 1]} : vector<1x30000xf32> to vector<1x300xf32>
      %swap3A_191 = arith.constant 34 : index
      %swap3A_192 = arith.constant 0 : index
      %swap3A_193 = vector.load %arg6[%swap3A_191, %swap3A_192] : memref<100x300xf32, #tpu.memory_space<vmem>>, vector<1x300xf32>
      tpu.vector_store %arg6[%swap3A_191, %swap3A_192], %slice3A_190 {strides = array<i32>} : memref<100x300xf32, #tpu.memory_space<vmem>>, vector<1x300xf32>,
      %slice3A_194 = vector.extract_strided_slice %dot_general3A_54 {offsets = [0, 10500], sizes = [1, 300], strides = [1, 1]} : vector<1x30000xf32> to vector<1x300xf32>
      %swap3A_195 = arith.constant 35 : index
      %swap3A_196 = arith.constant 0 : index
      %swap3A_197 = vector.load %arg6[%swap3A_195, %swap3A_196] : memref<100x300xf32, #tpu.memory_space<vmem>>, vector<1x300xf32>
      tpu.vector_store %arg6[%swap3A_195, %swap3A_196], %slice3A_194 {strides = array<i32>} : memref<100x300xf32, #tpu.memory_space<vmem>>, vector<1x300xf32>,
      %slice3A_198 = vector.extract_strided_slice %dot_general3A_54 {offsets = [0, 10800], sizes = [1, 300], strides = [1, 1]} : vector<1x30000xf32> to vector<1x300xf32>
      %swap3A_199 = arith.constant 36 : index
      %swap3A_200 = arith.constant 0 : index
      %swap3A_201 = vector.load %arg6[%swap3A_199, %swap3A_200] : memref<100x300xf32, #tpu.memory_space<vmem>>, vector<1x300xf32>
      tpu.vector_store %arg6[%swap3A_199, %swap3A_200], %slice3A_198 {strides = array<i32>} : memref<100x300xf32, #tpu.memory_space<vmem>>, vector<1x300xf32>,
      %slice3A_202 = vector.extract_strided_slice %dot_general3A_54 {offsets = [0, 11100], sizes = [1, 300], strides = [1, 1]} : vector<1x30000xf32> to vector<1x300xf32>
      %swap3A_203 = arith.constant 37 : index
      %swap3A_204 = arith.constant 0 : index
      %swap3A_205 = vector.load %arg6[%swap3A_203, %swap3A_204] : memref<100x300xf32, #tpu.memory_space<vmem>>, vector<1x300xf32>
      tpu.vector_store %arg6[%swap3A_203, %swap3A_204], %slice3A_202 {strides = array<i32>} : memref<100x300xf32, #tpu.memory_space<vmem>>, vector<1x300xf32>,
      %slice3A_206 = vector.extract_strided_slice %dot_general3A_54 {offsets = [0, 11400], sizes = [1, 300], strides = [1, 1]} : vector<1x30000xf32> to vector<1x300xf32>
      %swap3A_207 = arith.constant 38 : index
      %swap3A_208 = arith.constant 0 : index
      %swap3A_209 = vector.load %arg6[%swap3A_207, %swap3A_208] : memref<100x300xf32, #tpu.memory_space<vmem>>, vector<1x300xf32>
      tpu.vector_store %arg6[%swap3A_207, %swap3A_208], %slice3A_206 {strides = array<i32>} : memref<100x300xf32, #tpu.memory_space<vmem>>, vector<1x300xf32>,
      %slice3A_210 = vector.extract_strided_slice %dot_general3A_54 {offsets = [0, 11700], sizes = [1, 300], strides = [1, 1]} : vector<1x30000xf32> to vector<1x300xf32>
      %swap3A_211 = arith.constant 39 : index
      %swap3A_212 = arith.constant 0 : index
      %swap3A_213 = vector.load %arg6[%swap3A_211, %swap3A_212] : memref<100x300xf32, #tpu.memory_space<vmem>>, vector<1x300xf32>
      tpu.vector_store %arg6[%swap3A_211, %swap3A_212], %slice3A_210 {strides = array<i32>} : memref<100x300xf32, #tpu.memory_space<vmem>>, vector<1x300xf32>,
      %slice3A_214 = vector.extract_strided_slice %dot_general3A_54 {offsets = [0, 12000], sizes = [1, 300], strides = [1, 1]} : vector<1x30000xf32> to vector<1x300xf32>
      %swap3A_215 = arith.constant 40 : index
      %swap3A_216 = arith.constant 0 : index
      %swap3A_217 = vector.load %arg6[%swap3A_215, %swap3A_216] : memref<100x300xf32, #tpu.memory_space<vmem>>, vector<1x300xf32>
      tpu.vector_store %arg6[%swap3A_215, %swap3A_216], %slice3A_214 {strides = array<i32>} : memref<100x300xf32, #tpu.memory_space<vmem>>, vector<1x300xf32>,
      %slice3A_218 = vector.extract_strided_slice %dot_general3A_54 {offsets = [0, 12300], sizes = [1, 300], strides = [1, 1]} : vector<1x30000xf32> to vector<1x300xf32>
      %swap3A_219 = arith.constant 41 : index
      %swap3A_220 = arith.constant 0 : index
      %swap3A_221 = vector.load %arg6[%swap3A_219, %swap3A_220] : memref<100x300xf32, #tpu.memory_space<vmem>>, vector<1x300xf32>
      tpu.vector_store %arg6[%swap3A_219, %swap3A_220], %slice3A_218 {strides = array<i32>} : memref<100x300xf32, #tpu.memory_space<vmem>>, vector<1x300xf32>,
      %slice3A_222 = vector.extract_strided_slice %dot_general3A_54 {offsets = [0, 12600], sizes = [1, 300], strides = [1, 1]} : vector<1x30000xf32> to vector<1x300xf32>
      %swap3A_223 = arith.constant 42 : index
      %swap3A_224 = arith.constant 0 : index
      %swap3A_225 = vector.load %arg6[%swap3A_223, %swap3A_224] : memref<100x300xf32, #tpu.memory_space<vmem>>, vector<1x300xf32>
      tpu.vector_store %arg6[%swap3A_223, %swap3A_224], %slice3A_222 {strides = array<i32>} : memref<100x300xf32, #tpu.memory_space<vmem>>, vector<1x300xf32>,
      %slice3A_226 = vector.extract_strided_slice %dot_general3A_54 {offsets = [0, 12900], sizes = [1, 300], strides = [1, 1]} : vector<1x30000xf32> to vector<1x300xf32>
      %swap3A_227 = arith.constant 43 : index
      %swap3A_228 = arith.constant 0 : index
      %swap3A_229 = vector.load %arg6[%swap3A_227, %swap3A_228] : memref<100x300xf32, #tpu.memory_space<vmem>>, vector<1x300xf32>
      tpu.vector_store %arg6[%swap3A_227, %swap3A_228], %slice3A_226 {strides = array<i32>} : memref<100x300xf32, #tpu.memory_space<vmem>>, vector<1x300xf32>,
      %slice3A_230 = vector.extract_strided_slice %dot_general3A_54 {offsets = [0, 13200], sizes = [1, 300], strides = [1, 1]} : vector<1x30000xf32> to vector<1x300xf32>
      %swap3A_231 = arith.constant 44 : index
      %swap3A_232 = arith.constant 0 : index
      %swap3A_233 = vector.load %arg6[%swap3A_231, %swap3A_232] : memref<100x300xf32, #tpu.memory_space<vmem>>, vector<1x300xf32>
      tpu.vector_store %arg6[%swap3A_231, %swap3A_232], %slice3A_230 {strides = array<i32>} : memref<100x300xf32, #tpu.memory_space<vmem>>, vector<1x300xf32>,
      %slice3A_234 = vector.extract_strided_slice %dot_general3A_54 {offsets = [0, 13500], sizes = [1, 300], strides = [1, 1]} : vector<1x30000xf32> to vector<1x300xf32>
      %swap3A_235 = arith.constant 45 : index
      %swap3A_236 = arith.constant 0 : index
      %swap3A_237 = vector.load %arg6[%swap3A_235, %swap3A_236] : memref<100x300xf32, #tpu.memory_space<vmem>>, vector<1x300xf32>
      tpu.vector_store %arg6[%swap3A_235, %swap3A_236], %slice3A_234 {strides = array<i32>} : memref<100x300xf32, #tpu.memory_space<vmem>>, vector<1x300xf32>,
      %slice3A_238 = vector.extract_strided_slice %dot_general3A_54 {offsets = [0, 13800], sizes = [1, 300], strides = [1, 1]} : vector<1x30000xf32> to vector<1x300xf32>
      %swap3A_239 = arith.constant 46 : index
      %swap3A_240 = arith.constant 0 : index
      %swap3A_241 = vector.load %arg6[%swap3A_239, %swap3A_240] : memref<100x300xf32, #tpu.memory_space<vmem>>, vector<1x300xf32>
      tpu.vector_store %arg6[%swap3A_239, %swap3A_240], %slice3A_238 {strides = array<i32>} : memref<100x300xf32, #tpu.memory_space<vmem>>, vector<1x300xf32>,
      %slice3A_242 = vector.extract_strided_slice %dot_general3A_54 {offsets = [0, 14100], sizes = [1, 300], strides = [1, 1]} : vector<1x30000xf32> to vector<1x300xf32>
      %swap3A_243 = arith.constant 47 : index
      %swap3A_244 = arith.constant 0 : index
      %swap3A_245 = vector.load %arg6[%swap3A_243, %swap3A_244] : memref<100x300xf32, #tpu.memory_space<vmem>>, vector<1x300xf32>
      tpu.vector_store %arg6[%swap3A_243, %swap3A_244], %slice3A_242 {strides = array<i32>} : memref<100x300xf32, #tpu.memory_space<vmem>>, vector<1x300xf32>,
      %slice3A_246 = vector.extract_strided_slice %dot_general3A_54 {offsets = [0, 14400], sizes = [1, 300], strides = [1, 1]} : vector<1x30000xf32> to vector<1x300xf32>
      %swap3A_247 = arith.constant 48 : index
      %swap3A_248 = arith.constant 0 : index
      %swap3A_249 = vector.load %arg6[%swap3A_247, %swap3A_248] : memref<100x300xf32, #tpu.memory_space<vmem>>, vector<1x300xf32>
      tpu.vector_store %arg6[%swap3A_247, %swap3A_248], %slice3A_246 {strides = array<i32>} : memref<100x300xf32, #tpu.memory_space<vmem>>, vector<1x300xf32>,
      %slice3A_250 = vector.extract_strided_slice %dot_general3A_54 {offsets = [0, 14700], sizes = [1, 300], strides = [1, 1]} : vector<1x30000xf32> to vector<1x300xf32>
      %swap3A_251 = arith.constant 49 : index
      %swap3A_252 = arith.constant 0 : index
      %swap3A_253 = vector.load %arg6[%swap3A_251, %swap3A_252] : memref<100x300xf32, #tpu.memory_space<vmem>>, vector<1x300xf32>
      tpu.vector_store %arg6[%swap3A_251, %swap3A_252], %slice3A_250 {strides = array<i32>} : memref<100x300xf32, #tpu.memory_space<vmem>>, vector<1x300xf32>,
      %slice3A_254 = vector.extract_strided_slice %dot_general3A_54 {offsets = [0, 15000], sizes = [1, 300], strides = [1, 1]} : vector<1x30000xf32> to vector<1x300xf32>
      %swap3A_255 = arith.constant 50 : index
      %swap3A_256 = arith.constant 0 : index
      %swap3A_257 = vector.load %arg6[%swap3A_255, %swap3A_256] : memref<100x300xf32, #tpu.memory_space<vmem>>, vector<1x300xf32>
      tpu.vector_store %arg6[%swap3A_255, %swap3A_256], %slice3A_254 {strides = array<i32>} : memref<100x300xf32, #tpu.memory_space<vmem>>, vector<1x300xf32>,
      %slice3A_258 = vector.extract_strided_slice %dot_general3A_54 {offsets = [0, 15300], sizes = [1, 300], strides = [1, 1]} : vector<1x30000xf32> to vector<1x300xf32>
      %swap3A_259 = arith.constant 51 : index
      %swap3A_260 = arith.constant 0 : index
      %swap3A_261 = vector.load %arg6[%swap3A_259, %swap3A_260] : memref<100x300xf32, #tpu.memory_space<vmem>>, vector<1x300xf32>
      tpu.vector_store %arg6[%swap3A_259, %swap3A_260], %slice3A_258 {strides = array<i32>} : memref<100x300xf32, #tpu.memory_space<vmem>>, vector<1x300xf32>,
      %slice3A_262 = vector.extract_strided_slice %dot_general3A_54 {offsets = [0, 15600], sizes = [1, 300], strides = [1, 1]} : vector<1x30000xf32> to vector<1x300xf32>
      %swap3A_263 = arith.constant 52 : index
      %swap3A_264 = arith.constant 0 : index
      %swap3A_265 = vector.load %arg6[%swap3A_263, %swap3A_264] : memref<100x300xf32, #tpu.memory_space<vmem>>, vector<1x300xf32>
      tpu.vector_store %arg6[%swap3A_263, %swap3A_264], %slice3A_262 {strides = array<i32>} : memref<100x300xf32, #tpu.memory_space<vmem>>, vector<1x300xf32>,
      %slice3A_266 = vector.extract_strided_slice %dot_general3A_54 {offsets = [0, 15900], sizes = [1, 300], strides = [1, 1]} : vector<1x30000xf32> to vector<1x300xf32>
      %swap3A_267 = arith.constant 53 : index
      %swap3A_268 = arith.constant 0 : index
      %swap3A_269 = vector.load %arg6[%swap3A_267, %swap3A_268] : memref<100x300xf32, #tpu.memory_space<vmem>>, vector<1x300xf32>
      tpu.vector_store %arg6[%swap3A_267, %swap3A_268], %slice3A_266 {strides = array<i32>} : memref<100x300xf32, #tpu.memory_space<vmem>>, vector<1x300xf32>,
      %slice3A_270 = vector.extract_strided_slice %dot_general3A_54 {offsets = [0, 16200], sizes = [1, 300], strides = [1, 1]} : vector<1x30000xf32> to vector<1x300xf32>
      %swap3A_271 = arith.constant 54 : index
      %swap3A_272 = arith.constant 0 : index
      %swap3A_273 = vector.load %arg6[%swap3A_271, %swap3A_272] : memref<100x300xf32, #tpu.memory_space<vmem>>, vector<1x300xf32>
      tpu.vector_store %arg6[%swap3A_271, %swap3A_272], %slice3A_270 {strides = array<i32>} : memref<100x300xf32, #tpu.memory_space<vmem>>, vector<1x300xf32>,
      %slice3A_274 = vector.extract_strided_slice %dot_general3A_54 {offsets = [0, 16500], sizes = [1, 300], strides = [1, 1]} : vector<1x30000xf32> to vector<1x300xf32>
      %swap3A_275 = arith.constant 55 : index
      %swap3A_276 = arith.constant 0 : index
      %swap3A_277 = vector.load %arg6[%swap3A_275, %swap3A_276] : memref<100x300xf32, #tpu.memory_space<vmem>>, vector<1x300xf32>
      tpu.vector_store %arg6[%swap3A_275, %swap3A_276], %slice3A_274 {strides = array<i32>} : memref<100x300xf32, #tpu.memory_space<vmem>>, vector<1x300xf32>,
      %slice3A_278 = vector.extract_strided_slice %dot_general3A_54 {offsets = [0, 16800], sizes = [1, 300], strides = [1, 1]} : vector<1x30000xf32> to vector<1x300xf32>
      %swap3A_279 = arith.constant 56 : index
      %swap3A_280 = arith.constant 0 : index
      %swap3A_281 = vector.load %arg6[%swap3A_279, %swap3A_280] : memref<100x300xf32, #tpu.memory_space<vmem>>, vector<1x300xf32>
      tpu.vector_store %arg6[%swap3A_279, %swap3A_280], %slice3A_278 {strides = array<i32>} : memref<100x300xf32, #tpu.memory_space<vmem>>, vector<1x300xf32>,
      %slice3A_282 = vector.extract_strided_slice %dot_general3A_54 {offsets = [0, 17100], sizes = [1, 300], strides = [1, 1]} : vector<1x30000xf32> to vector<1x300xf32>
      %swap3A_283 = arith.constant 57 : index
      %swap3A_284 = arith.constant 0 : index
      %swap3A_285 = vector.load %arg6[%swap3A_283, %swap3A_284] : memref<100x300xf32, #tpu.memory_space<vmem>>, vector<1x300xf32>
      tpu.vector_store %arg6[%swap3A_283, %swap3A_284], %slice3A_282 {strides = array<i32>} : memref<100x300xf32, #tpu.memory_space<vmem>>, vector<1x300xf32>,
      %slice3A_286 = vector.extract_strided_slice %dot_general3A_54 {offsets = [0, 17400], sizes = [1, 300], strides = [1, 1]} : vector<1x30000xf32> to vector<1x300xf32>
      %swap3A_287 = arith.constant 58 : index
      %swap3A_288 = arith.constant 0 : index
      %swap3A_289 = vector.load %arg6[%swap3A_287, %swap3A_288] : memref<100x300xf32, #tpu.memory_space<vmem>>, vector<1x300xf32>
      tpu.vector_store %arg6[%swap3A_287, %swap3A_288], %slice3A_286 {strides = array<i32>} : memref<100x300xf32, #tpu.memory_space<vmem>>, vector<1x300xf32>,
      %slice3A_290 = vector.extract_strided_slice %dot_general3A_54 {offsets = [0, 17700], sizes = [1, 300], strides = [1, 1]} : vector<1x30000xf32> to vector<1x300xf32>
      %swap3A_291 = arith.constant 59 : index
      %swap3A_292 = arith.constant 0 : index
      %swap3A_293 = vector.load %arg6[%swap3A_291, %swap3A_292] : memref<100x300xf32, #tpu.memory_space<vmem>>, vector<1x300xf32>
      tpu.vector_store %arg6[%swap3A_291, %swap3A_292], %slice3A_290 {strides = array<i32>} : memref<100x300xf32, #tpu.memory_space<vmem>>, vector<1x300xf32>,
      %slice3A_294 = vector.extract_strided_slice %dot_general3A_54 {offsets = [0, 18000], sizes = [1, 300], strides = [1, 1]} : vector<1x30000xf32> to vector<1x300xf32>
      %swap3A_295 = arith.constant 60 : index
      %swap3A_296 = arith.constant 0 : index
      %swap3A_297 = vector.load %arg6[%swap3A_295, %swap3A_296] : memref<100x300xf32, #tpu.memory_space<vmem>>, vector<1x300xf32>
      tpu.vector_store %arg6[%swap3A_295, %swap3A_296], %slice3A_294 {strides = array<i32>} : memref<100x300xf32, #tpu.memory_space<vmem>>, vector<1x300xf32>,
      %slice3A_298 = vector.extract_strided_slice %dot_general3A_54 {offsets = [0, 18300], sizes = [1, 300], strides = [1, 1]} : vector<1x30000xf32> to vector<1x300xf32>
      %swap3A_299 = arith.constant 61 : index
      %swap3A_300 = arith.constant 0 : index
      %swap3A_301 = vector.load %arg6[%swap3A_299, %swap3A_300] : memref<100x300xf32, #tpu.memory_space<vmem>>, vector<1x300xf32>
      tpu.vector_store %arg6[%swap3A_299, %swap3A_300], %slice3A_298 {strides = array<i32>} : memref<100x300xf32, #tpu.memory_space<vmem>>, vector<1x300xf32>,
      %slice3A_302 = vector.extract_strided_slice %dot_general3A_54 {offsets = [0, 18600], sizes = [1, 300], strides = [1, 1]} : vector<1x30000xf32> to vector<1x300xf32>
      %swap3A_303 = arith.constant 62 : index
      %swap3A_304 = arith.constant 0 : index
      %swap3A_305 = vector.load %arg6[%swap3A_303, %swap3A_304] : memref<100x300xf32, #tpu.memory_space<vmem>>, vector<1x300xf32>
      tpu.vector_store %arg6[%swap3A_303, %swap3A_304], %slice3A_302 {strides = array<i32>} : memref<100x300xf32, #tpu.memory_space<vmem>>, vector<1x300xf32>,
      %slice3A_306 = vector.extract_strided_slice %dot_general3A_54 {offsets = [0, 18900], sizes = [1, 300], strides = [1, 1]} : vector<1x30000xf32> to vector<1x300xf32>
      %swap3A_307 = arith.constant 63 : index
      %swap3A_308 = arith.constant 0 : index
      %swap3A_309 = vector.load %arg6[%swap3A_307, %swap3A_308] : memref<100x300xf32, #tpu.memory_space<vmem>>, vector<1x300xf32>
      tpu.vector_store %arg6[%swap3A_307, %swap3A_308], %slice3A_306 {strides = array<i32>} : memref<100x300xf32, #tpu.memory_space<vmem>>, vector<1x300xf32>,
      %slice3A_310 = vector.extract_strided_slice %dot_general3A_54 {offsets = [0, 19200], sizes = [1, 300], strides = [1, 1]} : vector<1x30000xf32> to vector<1x300xf32>
      %swap3A_311 = arith.constant 64 : index
      %swap3A_312 = arith.constant 0 : index
      %swap3A_313 = vector.load %arg6[%swap3A_311, %swap3A_312] : memref<100x300xf32, #tpu.memory_space<vmem>>, vector<1x300xf32>
      tpu.vector_store %arg6[%swap3A_311, %swap3A_312], %slice3A_310 {strides = array<i32>} : memref<100x300xf32, #tpu.memory_space<vmem>>, vector<1x300xf32>,
      %slice3A_314 = vector.extract_strided_slice %dot_general3A_54 {offsets = [0, 19500], sizes = [1, 300], strides = [1, 1]} : vector<1x30000xf32> to vector<1x300xf32>
      %swap3A_315 = arith.constant 65 : index
      %swap3A_316 = arith.constant 0 : index
      %swap3A_317 = vector.load %arg6[%swap3A_315, %swap3A_316] : memref<100x300xf32, #tpu.memory_space<vmem>>, vector<1x300xf32>
      tpu.vector_store %arg6[%swap3A_315, %swap3A_316], %slice3A_314 {strides = array<i32>} : memref<100x300xf32, #tpu.memory_space<vmem>>, vector<1x300xf32>,
      %slice3A_318 = vector.extract_strided_slice %dot_general3A_54 {offsets = [0, 19800], sizes = [1, 300], strides = [1, 1]} : vector<1x30000xf32> to vector<1x300xf32>
      %swap3A_319 = arith.constant 66 : index
      %swap3A_320 = arith.constant 0 : index
      %swap3A_321 = vector.load %arg6[%swap3A_319, %swap3A_320] : memref<100x300xf32, #tpu.memory_space<vmem>>, vector<1x300xf32>
      tpu.vector_store %arg6[%swap3A_319, %swap3A_320], %slice3A_318 {strides = array<i32>} : memref<100x300xf32, #tpu.memory_space<vmem>>, vector<1x300xf32>,
      %slice3A_322 = vector.extract_strided_slice %dot_general3A_54 {offsets = [0, 20100], sizes = [1, 300], strides = [1, 1]} : vector<1x30000xf32> to vector<1x300xf32>
      %swap3A_323 = arith.constant 67 : index
      %swap3A_324 = arith.constant 0 : index
      %swap3A_325 = vector.load %arg6[%swap3A_323, %swap3A_324] : memref<100x300xf32, #tpu.memory_space<vmem>>, vector<1x300xf32>
      tpu.vector_store %arg6[%swap3A_323, %swap3A_324], %slice3A_322 {strides = array<i32>} : memref<100x300xf32, #tpu.memory_space<vmem>>, vector<1x300xf32>,
      %slice3A_326 = vector.extract_strided_slice %dot_general3A_54 {offsets = [0, 20400], sizes = [1, 300], strides = [1, 1]} : vector<1x30000xf32> to vector<1x300xf32>
      %swap3A_327 = arith.constant 68 : index
      %swap3A_328 = arith.constant 0 : index
      %swap3A_329 = vector.load %arg6[%swap3A_327, %swap3A_328] : memref<100x300xf32, #tpu.memory_space<vmem>>, vector<1x300xf32>
      tpu.vector_store %arg6[%swap3A_327, %swap3A_328], %slice3A_326 {strides = array<i32>} : memref<100x300xf32, #tpu.memory_space<vmem>>, vector<1x300xf32>,
      %slice3A_330 = vector.extract_strided_slice %dot_general3A_54 {offsets = [0, 20700], sizes = [1, 300], strides = [1, 1]} : vector<1x30000xf32> to vector<1x300xf32>
      %swap3A_331 = arith.constant 69 : index
      %swap3A_332 = arith.constant 0 : index
      %swap3A_333 = vector.load %arg6[%swap3A_331, %swap3A_332] : memref<100x300xf32, #tpu.memory_space<vmem>>, vector<1x300xf32>
      tpu.vector_store %arg6[%swap3A_331, %swap3A_332], %slice3A_330 {strides = array<i32>} : memref<100x300xf32, #tpu.memory_space<vmem>>, vector<1x300xf32>,
      %slice3A_334 = vector.extract_strided_slice %dot_general3A_54 {offsets = [0, 21000], sizes = [1, 300], strides = [1, 1]} : vector<1x30000xf32> to vector<1x300xf32>
      %swap3A_335 = arith.constant 70 : index
      %swap3A_336 = arith.constant 0 : index
      %swap3A_337 = vector.load %arg6[%swap3A_335, %swap3A_336] : memref<100x300xf32, #tpu.memory_space<vmem>>, vector<1x300xf32>
      tpu.vector_store %arg6[%swap3A_335, %swap3A_336], %slice3A_334 {strides = array<i32>} : memref<100x300xf32, #tpu.memory_space<vmem>>, vector<1x300xf32>,
      %slice3A_338 = vector.extract_strided_slice %dot_general3A_54 {offsets = [0, 21300], sizes = [1, 300], strides = [1, 1]} : vector<1x30000xf32> to vector<1x300xf32>
      %swap3A_339 = arith.constant 71 : index
      %swap3A_340 = arith.constant 0 : index
      %swap3A_341 = vector.load %arg6[%swap3A_339, %swap3A_340] : memref<100x300xf32, #tpu.memory_space<vmem>>, vector<1x300xf32>
      tpu.vector_store %arg6[%swap3A_339, %swap3A_340], %slice3A_338 {strides = array<i32>} : memref<100x300xf32, #tpu.memory_space<vmem>>, vector<1x300xf32>,
      %slice3A_342 = vector.extract_strided_slice %dot_general3A_54 {offsets = [0, 21600], sizes = [1, 300], strides = [1, 1]} : vector<1x30000xf32> to vector<1x300xf32>
      %swap3A_343 = arith.constant 72 : index
      %swap3A_344 = arith.constant 0 : index
      %swap3A_345 = vector.load %arg6[%swap3A_343, %swap3A_344] : memref<100x300xf32, #tpu.memory_space<vmem>>, vector<1x300xf32>
      tpu.vector_store %arg6[%swap3A_343, %swap3A_344], %slice3A_342 {strides = array<i32>} : memref<100x300xf32, #tpu.memory_space<vmem>>, vector<1x300xf32>,
      %slice3A_346 = vector.extract_strided_slice %dot_general3A_54 {offsets = [0, 21900], sizes = [1, 300], strides = [1, 1]} : vector<1x30000xf32> to vector<1x300xf32>
      %swap3A_347 = arith.constant 73 : index
      %swap3A_348 = arith.constant 0 : index
      %swap3A_349 = vector.load %arg6[%swap3A_347, %swap3A_348] : memref<100x300xf32, #tpu.memory_space<vmem>>, vector<1x300xf32>
      tpu.vector_store %arg6[%swap3A_347, %swap3A_348], %slice3A_346 {strides = array<i32>} : memref<100x300xf32, #tpu.memory_space<vmem>>, vector<1x300xf32>,
      %slice3A_350 = vector.extract_strided_slice %dot_general3A_54 {offsets = [0, 22200], sizes = [1, 300], strides = [1, 1]} : vector<1x30000xf32> to vector<1x300xf32>
      %swap3A_351 = arith.constant 74 : index
      %swap3A_352 = arith.constant 0 : index
      %swap3A_353 = vector.load %arg6[%swap3A_351, %swap3A_352] : memref<100x300xf32, #tpu.memory_space<vmem>>, vector<1x300xf32>
      tpu.vector_store %arg6[%swap3A_351, %swap3A_352], %slice3A_350 {strides = array<i32>} : memref<100x300xf32, #tpu.memory_space<vmem>>, vector<1x300xf32>,
      %slice3A_354 = vector.extract_strided_slice %dot_general3A_54 {offsets = [0, 22500], sizes = [1, 300], strides = [1, 1]} : vector<1x30000xf32> to vector<1x300xf32>
      %swap3A_355 = arith.constant 75 : index
      %swap3A_356 = arith.constant 0 : index
      %swap3A_357 = vector.load %arg6[%swap3A_355, %swap3A_356] : memref<100x300xf32, #tpu.memory_space<vmem>>, vector<1x300xf32>
      tpu.vector_store %arg6[%swap3A_355, %swap3A_356], %slice3A_354 {strides = array<i32>} : memref<100x300xf32, #tpu.memory_space<vmem>>, vector<1x300xf32>,
      %slice3A_358 = vector.extract_strided_slice %dot_general3A_54 {offsets = [0, 22800], sizes = [1, 300], strides = [1, 1]} : vector<1x30000xf32> to vector<1x300xf32>
      %swap3A_359 = arith.constant 76 : index
      %swap3A_360 = arith.constant 0 : index
      %swap3A_361 = vector.load %arg6[%swap3A_359, %swap3A_360] : memref<100x300xf32, #tpu.memory_space<vmem>>, vector<1x300xf32>
      tpu.vector_store %arg6[%swap3A_359, %swap3A_360], %slice3A_358 {strides = array<i32>} : memref<100x300xf32, #tpu.memory_space<vmem>>, vector<1x300xf32>,
      %slice3A_362 = vector.extract_strided_slice %dot_general3A_54 {offsets = [0, 23100], sizes = [1, 300], strides = [1, 1]} : vector<1x30000xf32> to vector<1x300xf32>
      %swap3A_363 = arith.constant 77 : index
      %swap3A_364 = arith.constant 0 : index
      %swap3A_365 = vector.load %arg6[%swap3A_363, %swap3A_364] : memref<100x300xf32, #tpu.memory_space<vmem>>, vector<1x300xf32>
      tpu.vector_store %arg6[%swap3A_363, %swap3A_364], %slice3A_362 {strides = array<i32>} : memref<100x300xf32, #tpu.memory_space<vmem>>, vector<1x300xf32>,
      %slice3A_366 = vector.extract_strided_slice %dot_general3A_54 {offsets = [0, 23400], sizes = [1, 300], strides = [1, 1]} : vector<1x30000xf32> to vector<1x300xf32>
      %swap3A_367 = arith.constant 78 : index
      %swap3A_368 = arith.constant 0 : index
      %swap3A_369 = vector.load %arg6[%swap3A_367, %swap3A_368] : memref<100x300xf32, #tpu.memory_space<vmem>>, vector<1x300xf32>
      tpu.vector_store %arg6[%swap3A_367, %swap3A_368], %slice3A_366 {strides = array<i32>} : memref<100x300xf32, #tpu.memory_space<vmem>>, vector<1x300xf32>,
      %slice3A_370 = vector.extract_strided_slice %dot_general3A_54 {offsets = [0, 23700], sizes = [1, 300], strides = [1, 1]} : vector<1x30000xf32> to vector<1x300xf32>
      %swap3A_371 = arith.constant 79 : index
      %swap3A_372 = arith.constant 0 : index
      %swap3A_373 = vector.load %arg6[%swap3A_371, %swap3A_372] : memref<100x300xf32, #tpu.memory_space<vmem>>, vector<1x300xf32>
      tpu.vector_store %arg6[%swap3A_371, %swap3A_372], %slice3A_370 {strides = array<i32>} : memref<100x300xf32, #tpu.memory_space<vmem>>, vector<1x300xf32>,
      %slice3A_374 = vector.extract_strided_slice %dot_general3A_54 {offsets = [0, 24000], sizes = [1, 300], strides = [1, 1]} : vector<1x30000xf32> to vector<1x300xf32>
      %swap3A_375 = arith.constant 80 : index
      %swap3A_376 = arith.constant 0 : index
      %swap3A_377 = vector.load %arg6[%swap3A_375, %swap3A_376] : memref<100x300xf32, #tpu.memory_space<vmem>>, vector<1x300xf32>
      tpu.vector_store %arg6[%swap3A_375, %swap3A_376], %slice3A_374 {strides = array<i32>} : memref<100x300xf32, #tpu.memory_space<vmem>>, vector<1x300xf32>,
      %slice3A_378 = vector.extract_strided_slice %dot_general3A_54 {offsets = [0, 24300], sizes = [1, 300], strides = [1, 1]} : vector<1x30000xf32> to vector<1x300xf32>
      %swap3A_379 = arith.constant 81 : index
      %swap3A_380 = arith.constant 0 : index
      %swap3A_381 = vector.load %arg6[%swap3A_379, %swap3A_380] : memref<100x300xf32, #tpu.memory_space<vmem>>, vector<1x300xf32>
      tpu.vector_store %arg6[%swap3A_379, %swap3A_380], %slice3A_378 {strides = array<i32>} : memref<100x300xf32, #tpu.memory_space<vmem>>, vector<1x300xf32>,
      %slice3A_382 = vector.extract_strided_slice %dot_general3A_54 {offsets = [0, 24600], sizes = [1, 300], strides = [1, 1]} : vector<1x30000xf32> to vector<1x300xf32>
      %swap3A_383 = arith.constant 82 : index
      %swap3A_384 = arith.constant 0 : index
      %swap3A_385 = vector.load %arg6[%swap3A_383, %swap3A_384] : memref<100x300xf32, #tpu.memory_space<vmem>>, vector<1x300xf32>
      tpu.vector_store %arg6[%swap3A_383, %swap3A_384], %slice3A_382 {strides = array<i32>} : memref<100x300xf32, #tpu.memory_space<vmem>>, vector<1x300xf32>,
      %slice3A_386 = vector.extract_strided_slice %dot_general3A_54 {offsets = [0, 24900], sizes = [1, 300], strides = [1, 1]} : vector<1x30000xf32> to vector<1x300xf32>
      %swap3A_387 = arith.constant 83 : index
      %swap3A_388 = arith.constant 0 : index
      %swap3A_389 = vector.load %arg6[%swap3A_387, %swap3A_388] : memref<100x300xf32, #tpu.memory_space<vmem>>, vector<1x300xf32>
      tpu.vector_store %arg6[%swap3A_387, %swap3A_388], %slice3A_386 {strides = array<i32>} : memref<100x300xf32, #tpu.memory_space<vmem>>, vector<1x300xf32>,
      %slice3A_390 = vector.extract_strided_slice %dot_general3A_54 {offsets = [0, 25200], sizes = [1, 300], strides = [1, 1]} : vector<1x30000xf32> to vector<1x300xf32>
      %swap3A_391 = arith.constant 84 : index
      %swap3A_392 = arith.constant 0 : index
      %swap3A_393 = vector.load %arg6[%swap3A_391, %swap3A_392] : memref<100x300xf32, #tpu.memory_space<vmem>>, vector<1x300xf32>
      tpu.vector_store %arg6[%swap3A_391, %swap3A_392], %slice3A_390 {strides = array<i32>} : memref<100x300xf32, #tpu.memory_space<vmem>>, vector<1x300xf32>,
      %slice3A_394 = vector.extract_strided_slice %dot_general3A_54 {offsets = [0, 25500], sizes = [1, 300], strides = [1, 1]} : vector<1x30000xf32> to vector<1x300xf32>
      %swap3A_395 = arith.constant 85 : index
      %swap3A_396 = arith.constant 0 : index
      %swap3A_397 = vector.load %arg6[%swap3A_395, %swap3A_396] : memref<100x300xf32, #tpu.memory_space<vmem>>, vector<1x300xf32>
      tpu.vector_store %arg6[%swap3A_395, %swap3A_396], %slice3A_394 {strides = array<i32>} : memref<100x300xf32, #tpu.memory_space<vmem>>, vector<1x300xf32>,
      %slice3A_398 = vector.extract_strided_slice %dot_general3A_54 {offsets = [0, 25800], sizes = [1, 300], strides = [1, 1]} : vector<1x30000xf32> to vector<1x300xf32>
      %swap3A_399 = arith.constant 86 : index
      %swap3A_400 = arith.constant 0 : index
      %swap3A_401 = vector.load %arg6[%swap3A_399, %swap3A_400] : memref<100x300xf32, #tpu.memory_space<vmem>>, vector<1x300xf32>
      tpu.vector_store %arg6[%swap3A_399, %swap3A_400], %slice3A_398 {strides = array<i32>} : memref<100x300xf32, #tpu.memory_space<vmem>>, vector<1x300xf32>,
      %slice3A_402 = vector.extract_strided_slice %dot_general3A_54 {offsets = [0, 26100], sizes = [1, 300], strides = [1, 1]} : vector<1x30000xf32> to vector<1x300xf32>
      %swap3A_403 = arith.constant 87 : index
      %swap3A_404 = arith.constant 0 : index
      %swap3A_405 = vector.load %arg6[%swap3A_403, %swap3A_404] : memref<100x300xf32, #tpu.memory_space<vmem>>, vector<1x300xf32>
      tpu.vector_store %arg6[%swap3A_403, %swap3A_404], %slice3A_402 {strides = array<i32>} : memref<100x300xf32, #tpu.memory_space<vmem>>, vector<1x300xf32>,
      %slice3A_406 = vector.extract_strided_slice %dot_general3A_54 {offsets = [0, 26400], sizes = [1, 300], strides = [1, 1]} : vector<1x30000xf32> to vector<1x300xf32>
      %swap3A_407 = arith.constant 88 : index
      %swap3A_408 = arith.constant 0 : index
      %swap3A_409 = vector.load %arg6[%swap3A_407, %swap3A_408] : memref<100x300xf32, #tpu.memory_space<vmem>>, vector<1x300xf32>
      tpu.vector_store %arg6[%swap3A_407, %swap3A_408], %slice3A_406 {strides = array<i32>} : memref<100x300xf32, #tpu.memory_space<vmem>>, vector<1x300xf32>,
      %slice3A_410 = vector.extract_strided_slice %dot_general3A_54 {offsets = [0, 26700], sizes = [1, 300], strides = [1, 1]} : vector<1x30000xf32> to vector<1x300xf32>
      %swap3A_411 = arith.constant 89 : index
      %swap3A_412 = arith.constant 0 : index
      %swap3A_413 = vector.load %arg6[%swap3A_411, %swap3A_412] : memref<100x300xf32, #tpu.memory_space<vmem>>, vector<1x300xf32>
      tpu.vector_store %arg6[%swap3A_411, %swap3A_412], %slice3A_410 {strides = array<i32>} : memref<100x300xf32, #tpu.memory_space<vmem>>, vector<1x300xf32>,
      %slice3A_414 = vector.extract_strided_slice %dot_general3A_54 {offsets = [0, 27000], sizes = [1, 300], strides = [1, 1]} : vector<1x30000xf32> to vector<1x300xf32>
      %swap3A_415 = arith.constant 90 : index
      %swap3A_416 = arith.constant 0 : index
      %swap3A_417 = vector.load %arg6[%swap3A_415, %swap3A_416] : memref<100x300xf32, #tpu.memory_space<vmem>>, vector<1x300xf32>
      tpu.vector_store %arg6[%swap3A_415, %swap3A_416], %slice3A_414 {strides = array<i32>} : memref<100x300xf32, #tpu.memory_space<vmem>>, vector<1x300xf32>,
      %slice3A_418 = vector.extract_strided_slice %dot_general3A_54 {offsets = [0, 27300], sizes = [1, 300], strides = [1, 1]} : vector<1x30000xf32> to vector<1x300xf32>
      %swap3A_419 = arith.constant 91 : index
      %swap3A_420 = arith.constant 0 : index
      %swap3A_421 = vector.load %arg6[%swap3A_419, %swap3A_420] : memref<100x300xf32, #tpu.memory_space<vmem>>, vector<1x300xf32>
      tpu.vector_store %arg6[%swap3A_419, %swap3A_420], %slice3A_418 {strides = array<i32>} : memref<100x300xf32, #tpu.memory_space<vmem>>, vector<1x300xf32>,
      %slice3A_422 = vector.extract_strided_slice %dot_general3A_54 {offsets = [0, 27600], sizes = [1, 300], strides = [1, 1]} : vector<1x30000xf32> to vector<1x300xf32>
      %swap3A_423 = arith.constant 92 : index
      %swap3A_424 = arith.constant 0 : index
      %swap3A_425 = vector.load %arg6[%swap3A_423, %swap3A_424] : memref<100x300xf32, #tpu.memory_space<vmem>>, vector<1x300xf32>
      tpu.vector_store %arg6[%swap3A_423, %swap3A_424], %slice3A_422 {strides = array<i32>} : memref<100x300xf32, #tpu.memory_space<vmem>>, vector<1x300xf32>,
      %slice3A_426 = vector.extract_strided_slice %dot_general3A_54 {offsets = [0, 27900], sizes = [1, 300], strides = [1, 1]} : vector<1x30000xf32> to vector<1x300xf32>
      %swap3A_427 = arith.constant 93 : index
      %swap3A_428 = arith.constant 0 : index
      %swap3A_429 = vector.load %arg6[%swap3A_427, %swap3A_428] : memref<100x300xf32, #tpu.memory_space<vmem>>, vector<1x300xf32>
      tpu.vector_store %arg6[%swap3A_427, %swap3A_428], %slice3A_426 {strides = array<i32>} : memref<100x300xf32, #tpu.memory_space<vmem>>, vector<1x300xf32>,
      %slice3A_430 = vector.extract_strided_slice %dot_general3A_54 {offsets = [0, 28200], sizes = [1, 300], strides = [1, 1]} : vector<1x30000xf32> to vector<1x300xf32>
      %swap3A_431 = arith.constant 94 : index
      %swap3A_432 = arith.constant 0 : index
      %swap3A_433 = vector.load %arg6[%swap3A_431, %swap3A_432] : memref<100x300xf32, #tpu.memory_space<vmem>>, vector<1x300xf32>
      tpu.vector_store %arg6[%swap3A_431, %swap3A_432], %slice3A_430 {strides = array<i32>} : memref<100x300xf32, #tpu.memory_space<vmem>>, vector<1x300xf32>,
      %slice3A_434 = vector.extract_strided_slice %dot_general3A_54 {offsets = [0, 28500], sizes = [1, 300], strides = [1, 1]} : vector<1x30000xf32> to vector<1x300xf32>
      %swap3A_435 = arith.constant 95 : index
      %swap3A_436 = arith.constant 0 : index
      %swap3A_437 = vector.load %arg6[%swap3A_435, %swap3A_436] : memref<100x300xf32, #tpu.memory_space<vmem>>, vector<1x300xf32>
      tpu.vector_store %arg6[%swap3A_435, %swap3A_436], %slice3A_434 {strides = array<i32>} : memref<100x300xf32, #tpu.memory_space<vmem>>, vector<1x300xf32>,
      %slice3A_438 = vector.extract_strided_slice %dot_general3A_54 {offsets = [0, 28800], sizes = [1, 300], strides = [1, 1]} : vector<1x30000xf32> to vector<1x300xf32>
      %swap3A_439 = arith.constant 96 : index
      %swap3A_440 = arith.constant 0 : index
      %swap3A_441 = vector.load %arg6[%swap3A_439, %swap3A_440] : memref<100x300xf32, #tpu.memory_space<vmem>>, vector<1x300xf32>
      tpu.vector_store %arg6[%swap3A_439, %swap3A_440], %slice3A_438 {strides = array<i32>} : memref<100x300xf32, #tpu.memory_space<vmem>>, vector<1x300xf32>,
      %slice3A_442 = vector.extract_strided_slice %dot_general3A_54 {offsets = [0, 29100], sizes = [1, 300], strides = [1, 1]} : vector<1x30000xf32> to vector<1x300xf32>
      %swap3A_443 = arith.constant 97 : index
      %swap3A_444 = arith.constant 0 : index
      %swap3A_445 = vector.load %arg6[%swap3A_443, %swap3A_444] : memref<100x300xf32, #tpu.memory_space<vmem>>, vector<1x300xf32>
      tpu.vector_store %arg6[%swap3A_443, %swap3A_444], %slice3A_442 {strides = array<i32>} : memref<100x300xf32, #tpu.memory_space<vmem>>, vector<1x300xf32>,
      %slice3A_446 = vector.extract_strided_slice %dot_general3A_54 {offsets = [0, 29400], sizes = [1, 300], strides = [1, 1]} : vector<1x30000xf32> to vector<1x300xf32>
      %swap3A_447 = arith.constant 98 : index
      %swap3A_448 = arith.constant 0 : index
      %swap3A_449 = vector.load %arg6[%swap3A_447, %swap3A_448] : memref<100x300xf32, #tpu.memory_space<vmem>>, vector<1x300xf32>
      tpu.vector_store %arg6[%swap3A_447, %swap3A_448], %slice3A_446 {strides = array<i32>} : memref<100x300xf32, #tpu.memory_space<vmem>>, vector<1x300xf32>,
      %slice3A_450 = vector.extract_strided_slice %dot_general3A_54 {offsets = [0, 29700], sizes = [1, 300], strides = [1, 1]} : vector<1x30000xf32> to vector<1x300xf32>
      %swap3A_451 = arith.constant 99 : index
      %swap3A_452 = arith.constant 0 : index
      %swap3A_453 = vector.load %arg6[%swap3A_451, %swap3A_452] : memref<100x300xf32, #tpu.memory_space<vmem>>, vector<1x300xf32>
      tpu.vector_store %arg6[%swap3A_451, %swap3A_452], %slice3A_450 {strides = array<i32>} : memref<100x300xf32, #tpu.memory_space<vmem>>, vector<1x300xf32>,
    } else {
    }
    %get3A = arith.constant 0 : index
    %get3A_2 = arith.constant 0 : index
    %get3A_3 = vector.load %arg6[%get3A, %get3A_2] : memref<100x300xf32, #tpu.memory_space<vmem>>, vector<100x300xf32>
    %get3A_4 = arith.constant 0 : index
    %get3A_5 = arith.constant 0 : index
    %get3A_6 = vector.load %arg1[%get3A_4, %get3A_5] : memref<3840x300xf32, #tpu.memory_space<vmem>>, vector<3840x300xf32>
    %max3A = arith.constant 0.000000e+00 : f32
    %max3A_7 = vector.broadcast %max3A : f32 to vector<3840x300xf32>
    %max3A_8 = arith.maximumf %get3A_6, %max3A_7 : vector<3840x300xf32>
    %dot_general3A = arith.constant dense<0.000000e+00> : vector<100x3840xf32>
    %dot_general3A_9 = tpu.matmul %get3A_3, %max3A_8, %dot_general3A {dimension_numbers = #tpu.dot_dimension_numbers<[1], [1], [0], [0], [0, 0, 1, 0], [], []>, transpose_lhs_hint = false} : vector<100x300xf32>, vector<3840x300xf32>, vector<100x3840xf32> -> vector<100x3840xf32>
    %get3A_10 = arith.constant 0 : index
    %get3A_11 = arith.constant 0 : index
    %get3A_12 = vector.load %arg2[%get3A_10, %get3A_11] : memref<3840x300xf32, #tpu.memory_space<vmem>>, vector<3840x300xf32>
    %max3A_13 = arith.constant 0.000000e+00 : f32
    %max3A_14 = vector.broadcast %max3A_13 : f32 to vector<3840x300xf32>
    %max3A_15 = arith.maximumf %get3A_12, %max3A_14 : vector<3840x300xf32>
    %dot_general3A_16 = arith.constant dense<0.000000e+00> : vector<100x3840xf32>
    %dot_general3A_17 = tpu.matmul %get3A_3, %max3A_15, %dot_general3A_16 {dimension_numbers = #tpu.dot_dimension_numbers<[1], [1], [0], [0], [0, 0, 1, 0], [], []>, transpose_lhs_hint = false} : vector<100x300xf32>, vector<3840x300xf32>, vector<100x3840xf32> -> vector<100x3840xf32>
    %bitcast_convert_type3A = tpu.bitcast %dot_general3A_9 : vector<100x3840xf32> -> vector<100x3840xi32>
    %shift_right_logical3A = arith.constant 16 : i32
    %shift_right_logical3A_18 = vector.broadcast %shift_right_logical3A : i32 to vector<100x3840xi32>
    %shift_right_logical3A_19 = arith.shrui %bitcast_convert_type3A, %shift_right_logical3A_18 : vector<100x3840xi32>
    %and3A = arith.constant 1 : i32
    %and3A_20 = vector.broadcast %and3A : i32 to vector<100x3840xi32>
    %and3A_21 = arith.andi %shift_right_logical3A_19, %and3A_20 : vector<100x3840xi32>
    %add3A = arith.constant 32767 : i32
    %add3A_22 = vector.broadcast %add3A : i32 to vector<100x3840xi32>
    %add3A_23 = arith.addi %bitcast_convert_type3A, %add3A_22 : vector<100x3840xi32>
    %add3A_24 = arith.addi %add3A_23, %and3A_21 : vector<100x3840xi32>
    %shift_right_logical3A_25 = arith.constant 16 : i32
    %shift_right_logical3A_26 = vector.broadcast %shift_right_logical3A_25 : i32 to vector<100x3840xi32>
    %shift_right_logical3A_27 = arith.shrui %add3A_24, %shift_right_logical3A_26 : vector<100x3840xi32>
    %bitcast_convert_type3A_28 = tpu.bitcast %dot_general3A_17 : vector<100x3840xf32> -> vector<100x3840xi32>
    %shift_right_logical3A_29 = arith.constant 16 : i32
    %shift_right_logical3A_30 = vector.broadcast %shift_right_logical3A_29 : i32 to vector<100x3840xi32>
    %shift_right_logical3A_31 = arith.shrui %bitcast_convert_type3A_28, %shift_right_logical3A_30 : vector<100x3840xi32>
    %and3A_32 = arith.constant 1 : i32
    %and3A_33 = vector.broadcast %and3A_32 : i32 to vector<100x3840xi32>
    %and3A_34 = arith.andi %shift_right_logical3A_31, %and3A_33 : vector<100x3840xi32>
    %add3A_35 = arith.constant 32767 : i32
    %add3A_36 = vector.broadcast %add3A_35 : i32 to vector<100x3840xi32>
    %add3A_37 = arith.addi %bitcast_convert_type3A_28, %add3A_36 : vector<100x3840xi32>
    %add3A_38 = arith.addi %add3A_37, %and3A_34 : vector<100x3840xi32>
    %shift_right_logical3A_39 = arith.constant 16 : i32
    %shift_right_logical3A_40 = vector.broadcast %shift_right_logical3A_39 : i32 to vector<100x3840xi32>
    %shift_right_logical3A_41 = arith.shrui %add3A_38, %shift_right_logical3A_40 : vector<100x3840xi32>
    %shift_left3A = arith.constant 16 : i32
    %shift_left3A_42 = vector.broadcast %shift_left3A : i32 to vector<100x3840xi32>
    %shift_left3A_43 = arith.shli %shift_right_logical3A_41, %shift_left3A_42 : vector<100x3840xi32>
    %or3A = arith.ori %shift_right_logical3A_27, %shift_left3A_43 : vector<100x3840xi32>
    %bitcast_convert_type3A_44 = tpu.bitcast %or3A : vector<100x3840xi32> -> vector<100x3840xi32>
    %swap3A = arith.constant 0 : index
    %swap3A_45 = arith.constant 0 : index
    %swap3A_46 = vector.load %arg5[%swap3A, %swap3A_45] : memref<100x3840xi32, #tpu.memory_space<vmem>>, vector<100x3840xi32>
    tpu.vector_store %arg5[%swap3A, %swap3A_45], %bitcast_convert_type3A_44 {strides = array<i32>} : memref<100x3840xi32, #tpu.memory_space<vmem>>, vector<100x3840xi32>,
    return
  }
  func.func @transform_0(%arg0: i32) -> (i32, i32) {
    %c0_i32 = arith.constant 0 : i32
    %c0_i32_0 = arith.constant 0 : i32
    return %arg0, %c0_i32 : i32, i32
  }
  func.func @transform_1(%arg0: i32) -> (i32, i32) {
    %add3A = arith.constant 10 : i32
    %add3A_0 = arith.addi %add3A, %arg0 : i32
    %c0_i32 = arith.constant 0 : i32
    %c0_i32_1 = arith.constant 0 : i32
    return %add3A_0, %c0_i32 : i32, i32
  }
  func.func @transform_2(%arg0: i32) -> (i32, i32) {
    %c0_i32 = arith.constant 0 : i32
    %c0_i32_0 = arith.constant 0 : i32
    %c0_i32_1 = arith.constant 0 : i32
    return %c0_i32, %c0_i32_0 : i32, i32
  }
  func.func @transform_3(%arg0: i32) -> (i32, i32) {
    %c0_i32 = arith.constant 0 : i32
    %c0_i32_0 = arith.constant 0 : i32
    %c0_i32_1 = arith.constant 0 : i32
    return %c0_i32, %c0_i32_0 : i32, i32
  }
  func.func @transform_4(%arg0: i32) -> (i32, i32) {
    %c0_i32 = arith.constant 0 : i32
    %c0_i32_0 = arith.constant 0 : i32
    return %c0_i32, %arg0 : i32, i32
  }
}

</mosaic_0001>

<sc_bundles>
// kernel: kernel.5.cloned.1.call-start
scs
__scs_entry_jumppad:
0x0: {  	(pc) =	sbr.rel $0x88, $3  }
0x1: {  	(tag) =	ssettag $0x0;
	lr =	simm.s32 $0x1  }
0x2: {  	[smem:$0x3F9B] =	sst lr;
	_ =	strace $0xD0000000  }
0x3: {  	_ = 	snop  }
0x4: {  	_ = 	snop  }
0x5: {  	_ = 	snop  }
0x6: {  	_ = 	snop  }
0x7: {  	_ = 	snop  }
__scs_overlays_trampoline_lowered:
0x8: {  	[smem:$0x3FAA] =	sst s0  }
0x9: {  	[smem:$0x3FAB] =	sst s1  }
0xa: {  	[smem:$0x3FAC] =	sst s2  }
0xb: {  	[smem:$0x3FAD] =	sst s3  }
0xc: {  	[smem:$0x3FAE] =	sst s4  }
0xd: {  	[smem:$0x3FAF] =	sst s5  }
0xe: {  	[smem:$0x3FB0] =	sst s6  }
0xf: {  	[smem:$0x3FB1] =	sst s7  }
0x10: {  	[smem:$0x3FB2] =	sst s8  }
0x11: {  	[smem:$0x3FB3] =	sst s9;
	s0 =	simm.s32 @!p0 $0x0  }
0x12: {  	s1 =	sld [smem:$0x3F99];
	s0 =	simm.s32 @p0 $0x1  }
0x13: {  	[smem:$0x3FB4] =	sst s0;
	s0 =	simm.s32 @!p1 $0x0  }
0x14: {  	s2 =	sld [smem:$0x3F98];
	s0 =	simm.s32 @p1 $0x1  }
0x15: {  	[smem:$0x3FB5] =	sst s0;
	s0 =	simm.s32 @!p2 $0x0  }
0x16: {  	s3 =	sld [smem:$0x3FDB];
	s0 =	simm.s32 @p2 $0x1  }
0x17: {  	s4 =	simm.s32 $0x1BF5;
	[smem:$0x3FB7] =	sst s0  }
0x18: {  	s0 =	sld [smem:$0x3F9A];
	_ =	swait.ge [sflag:s4], $0x0  }
0x19: {  	s7 =	sld [smem:$0x3F9B]  }
0x1a: {  	s8 =	sadd.s32 $0xFFFFE003, lr  }
0x1b: {  	s9 =	sadd.s32 $0xFFFFFEF7, lr;
	s5 =	simm.s32 $0xFFFFFFFF;
	p2 =	slt.u32 s8, $0xFFFFF086  }
0x1c: {  	p1 =	slt.u32 s9, $0xF7A;
	s5 =	simm.s32 @!p2 $0x0  }
0x1d: {  	s5 =	simm.s32 @p1 $0x1;
	p0 =	seq.s32 s7, s2  }
0x1e: {  	s7 =	smul.u32 @!p0 $0xF7A, s2;
	p2 =	seq.s32 @!p0 s5, $0x0  }
0x1f: {  	s9 =	smul.u32 $0xF7A, s1;
	s8 =	simm.s32 @!p0 $0x1BF5;
	p2 =	por !p2, p0  }
0x20: {  	[sflag:s8] =	ssyncset.s32 @!p0 $0xFFFFF086;
	s6 =	sadd.s32 @!p0 s3, s7;
	s7 =	simm.s32 @!p0 $0x108  }
0x21: {  	s3 =	sadd.s32 s3, s9;
	s6 =	sadd.s32 @!p0 $0x88, s6;
	s7 =	simm.s32 @p2 $0x1082  }
0x22: {  	[simem:s7], [sflag:s8] =	dma.local @!p0 [hbm:s6], $0xF7A  }
0x23: {  	s9 =	sor.u32 $0xD0000000, s2;
	s6 =	simm.s32 $0x108;
	_ =	swait.ge @!p0 [sflag:s8], $0x0  }
0x24: {  	s3 =	sadd.s32 $0x88, s3;
	s6 =	simm.s32 @!p1 $0x1082;
	[sflag:s4] =	ssyncset.s32 $0xFFFFF086  }
0x25: {  	[simem:s6], [sflag:s4] =	dma.local [hbm:s3], $0xF7A  }
0x26: {  	[smem:$0x3F9B] =	sst s1;
	(tag) =	ssettag s2;
	_ =	strace s9  }
0x27: {  	s1 =	sld [smem:$0x3FAB]  }
0x28: {  	s2 =	sld [smem:$0x3FAC]  }
0x29: {  	s4 =	sld [smem:$0x3FAE]  }
0x2a: {  	p0 =	seq.s32 s5, $0x0;
	s5 =	sld [smem:$0x3FAF]  }
0x2b: {  	s6 =	sld [smem:$0x3FB0]  }
0x2c: {  	s7 =	sld [smem:$0x3FB1]  }
0x2d: {  	s3 =	simm.s32 $0x108;
	s8 =	sld [smem:$0x3FB2]  }
0x2e: {  	s3 =	simm.s32 @!p0 $0x1082;
	s9 =	sld [smem:$0x3FB3]  }
0x2f: {  	lr =	sadd.s32 s0, s3;
	s0 =	sld [smem:$0x3FAA]  }
0x30: {  	s3 =	sld [smem:$0x3FAD]  }
0x31: {  	[smem:$0x3FB6] =	sst s10  }
0x32: {  	s10 =	sld [smem:$0x3FB4];
	_ =	sdelay $0x3  }
0x33: {  	p0 =	seq.s32 s10, $0x1;
	s10 =	sld [smem:$0x3FB6];
	_ =	sdelay $0x3  }
0x34: {  	[smem:$0x3FB6] =	sst s10  }
0x35: {  	s10 =	sld [smem:$0x3FB5];
	_ =	sdelay $0x3  }
0x36: {  	p1 =	seq.s32 s10, $0x1;
	s10 =	sld [smem:$0x3FB6];
	_ =	sdelay $0x3  }
0x37: {  	[smem:$0x3FB6] =	sst s10  }
0x38: {  	s10 =	sld [smem:$0x3FB7]  }
0x39: {  	_ = 	snop;
	(pc) =	sbr.ind lr, $3  }
0x3a: {  	_ = 	snop  }
0x3b: {  	_ = 	snop  }
0x3c: {  	p2 =	seq.s32 s10, $0x1;
	s10 =	sld [smem:$0x3FB6]  }
0x3d: {  	_ =	shalt  }
0x3e: {  	_ =	shalt  }
0x3f: {  	_ =	shalt  }
0x40: {  	_ =	shalt  }
0x41: {  	_ =	shalt  }
0x42: {  	_ =	shalt  }
0x43: {  	_ =	shalt  }
0x44: {  	_ =	shalt  }
0x45: {  	_ =	shalt  }
0x46: {  	_ =	shalt  }
0x47: {  	_ =	shalt  }
0x48: {  	_ =	shalt  }
0x49: {  	_ =	shalt  }
0x4a: {  	_ =	shalt  }
0x4b: {  	_ =	shalt  }
0x4c: {  	_ =	shalt  }
0x4d: {  	_ =	shalt  }
0x4e: {  	_ =	shalt  }
0x4f: {  	_ =	shalt  }
0x50: {  	_ =	shalt  }
0x51: {  	_ =	shalt  }
0x52: {  	_ =	shalt  }
0x53: {  	_ =	shalt  }
0x54: {  	_ =	shalt  }
0x55: {  	_ =	shalt  }
0x56: {  	_ =	shalt  }
0x57: {  	_ =	shalt  }
0x58: {  	_ =	shalt  }
0x59: {  	_ =	shalt  }
0x5a: {  	_ =	shalt  }
0x5b: {  	_ =	shalt  }
0x5c: {  	_ =	shalt  }
0x5d: {  	_ =	shalt  }
0x5e: {  	_ =	shalt  }
0x5f: {  	_ =	shalt  }
0x60: {  	_ =	shalt  }
0x61: {  	_ =	shalt  }
0x62: {  	_ =	shalt  }
0x63: {  	_ =	shalt  }
0x64: {  	_ =	shalt  }
0x65: {  	_ =	shalt  }
0x66: {  	_ =	shalt  }
0x67: {  	_ =	shalt  }
0x68: {  	_ =	shalt  }
0x69: {  	_ =	shalt  }
0x6a: {  	_ =	shalt  }
0x6b: {  	_ =	shalt  }
0x6c: {  	_ =	shalt  }
0x6d: {  	_ =	shalt  }
0x6e: {  	_ =	shalt  }
0x6f: {  	_ =	shalt  }
0x70: {  	_ =	shalt  }
0x71: {  	_ =	shalt  }
0x72: {  	_ =	shalt  }
0x73: {  	_ =	shalt  }
0x74: {  	_ =	shalt  }
0x75: {  	_ =	shalt  }
0x76: {  	_ =	shalt  }
0x77: {  	_ =	shalt  }
0x78: {  	_ =	shalt  }
0x79: {  	_ =	shalt  }
0x7a: {  	_ =	shalt  }
0x7b: {  	_ =	shalt  }
0x7c: {  	_ =	shalt  }
0x7d: {  	_ =	shalt  }
0x7e: {  	_ =	shalt  }
0x7f: {  	_ =	shalt  }
0x80: {  	_ =	shalt  }
0x81: {  	_ =	shalt  }
0x82: {  	_ =	shalt  }
0x83: {  	_ =	shalt  }
0x84: {  	_ =	shalt  }
0x85: {  	_ =	shalt  }
0x86: {  	_ =	shalt  }
0x87: {  	_ =	shalt  }
.Lfunc_end0:
.L_simem_size_0:
called_computation_lowered:
.L_overlay_start_0:
0x88: {  	s2 =	sld [smem:$0x3FD9]  }
0x89: {  	s3 =	sld [smem:$0x3FFE];
	_ =	sdelay $0x1  }
0x8a: {  	s1 =	srdreg.scid  }
0x8b: {  	s0 =	sand.u32 $0x1, s1  }
0x8c: {  	s17 =	sshll.u32 s0, $0xA;
	s2 =	sadd.s32 s3, s2  }
0x8d: {  	s2 =	sadd.s32 s2, s17  }
0x8e: {  	[smem:$0x3FC2] =	sst s2  }
0x8f: {  	_ = 	snop  }
0x90: {  	s2 =	sld [smem:$0x3FC9];
	(tm) =	ssettm $0x1  }
0x91: {  	s18 =	sld [smem:$0x3FFB];
	_ =	sdelay $0x3  }
0x92: {  	_ =	strace s18  }
0x93: {  	s3 =	sld [smem:$0x3FFC];
	_ =	sdelay $0x3  }
0x94: {  	_ =	strace s3  }
0x95: {  	s3 =	sld [smem:$0x3FFD];
	_ =	sdelay $0x3  }
0x96: {  	_ =	strace s3  }
0x97: {  	_ =	strace $0x8FFFFFFF  }
0x98: {  	s19 =	sld [smem:$0x3FDB];
	_ =	sdelay $0x1  }
0x99: {  	s4 =	simm.s32 $_scs_section_size  }
0x9a: {  	s5 =	simm.s32 $_size__tile_overlayer_lowered;
	s6 =	simm.s32 $_tile_overlayer_lowered  }
0x9b: {  	s22 =	simm.s32 $0x1BFF;
	s21 =	sshll.u32 s6, $0x1;
	s3 =	sadd.s32 s4, s19  }
0x9c: {  	s7 =	simm.s32 $0x0;
	s20 =	sshll.u32 s5, $0x1;
	s5 =	sadd.s32 s21, s3  }
0x9d: {  	[timem:s7], [sflag:s22] =	dma.local [hbm:s5], s20  }
0x9e: {  	_ =	swait.ge [sflag:s22], s20  }
0x9f: {  	s4 =	ssub.s32 $0x0, s20;
	[sflag:s22] =	ssyncset.done $0x0  }
0xa0: {  	[sflag:s22] =	ssyncadd.s32 s4;
	_ =	sdelay $0x1  }
0xa1: {  	s23 =	simm.s32 $0x1B8B  }
0xa2: {  	_ =	swait.ge [sflag:s23], $0x1  }
0xa3: {  	[sflag:s23] =	ssyncset.done $0x0  }
0xa4: {  	s25 =	simm.s32 $0x1B8E;
	s24 =	sld [smem:$0x3FFE];
	[sflag:s23] =	ssyncadd.s32 $0xFFFFFFFF  }
0xa5: {  	s26 =	simm.s32 $execute0_lowered;
	[smem:$0x3FD2] =	sst s25  }
0xa6: {  	s5 =	sshll.u32 s26, $0x1;
	_ =	strace $0x80000046;
	[dreg:$0x1] =	wrdreg $0xFFFFFFFF  }
0xa7: {  	s28 =	simm.s32 $_size_execute0_lowered;
	s3 =	sadd.s32 s3, s5;
	[dreg:$0x0] =	wrdreg $0x0  }
0xa8: {  	s5 =	sshll.u32 s28, $0x1;
	[dreg:$0x2] =	wrdreg s3  }
0xa9: {  	[dreg:$0x3] =	wrdreg s5  }
0xaa: {  	[dreg:$0x4] =	wrdreg $0xC0  }
0xab: {  	_ =	task [dreg:s7], $0x5FFFF  }
0xac: {  	[dreg:$0x1] =	wrdreg $0xFFFFFFFF  }
0xad: {  	[dreg:$0x0] =	wrdreg $0x60  }
0xae: {  	[dreg:$0x2] =	wrdreg s24  }
0xaf: {  	[dreg:$0x3] =	wrdreg s2  }
0xb0: {  	[dreg:$0x4] =	wrdreg $0x9  }
0xb1: {  	_ =	task.clear_ibuf [dreg:s7], $0x5FFFF;
	_ =	strace $0x90000046  }
0xb2: {  	s29 =	simm.s32 $0x9;
	_ =	strace $0x80000048  }
0xb3: {  	_ =	swait.ge [sflag:s29], $0x1  }
0xb4: {  	[sflag:s29] =	ssyncadd.s32 $0xFFFFFFFF  }
0xb5: {  	_ =	strace $0x90000048  }
0xb6: {  	_ =	sfence  }
0xb7: {  	s30 =	sld [smem:$0x0];
	_ =	sdelay $0x2  }
0xb8: {  	s31 =	sshll.u32 s1, $0xD;
	s1 =	sshrl.u32 s1, $0x2  }
0xb9: {  	s3 =	sand.u32 $0x4000, s31;
	s1 =	sadd.s32 s1, s30  }
0xba: {  	s0 =	sor.u32 s3, s0;
	s1 =	sshll.u32 s1, $0x11  }
0xbb: {  	s0 =	sor.u32 s1, s0  }
0xbc: {  	s0 =	sadd.s32 $0x8F2B, s0  }
0xbd: {  	[sflag:s0] =	ssyncadd.remote.s32 $0x1  }
0xbe: {  	_ =	sfence.sel $0xFFFF  }
0xbf: {  	[dreg:$0x0] =	wrdreg $0xFFFFFFFF;
	(pc) =	sbr.abs _section_cstart, $3  }
0xc0: {  	[dreg:$0x1] =	wrdreg $0xFFFFFFFF  }
0xc1: {  	_ =	task.clear_ibuf [dreg:s7], $0x2FFFF;
	_ =	strace $0x9FFFFFFF  }
0xc2: {  	(tm) =	ssettm $0x7FFFFFFF  }
0xc3: {  	_ =	shalt  }
tec
execute0_lowered:
.L_overlay_start_1:
0x0: {  	(tag) =	ssettag $0x1  }
0x1: {  	s1 =	srdreg.scid  }
0x2: {  	s0 =	stileid.u32;
	s3 =	rddreg [dreg:$0x0]  }
0x3: {  	s8 =	rddreg [dreg:$0x1];
	s15 =	simm.s32 $0x12C00;
	s16 =	simm.s32 $0x9600  }
0x4: {  	s17 =	simm.s32 $0x13C00;
	s18 =	simm.s32 $0x1;
	s19 =	simm.s32 $0x3  }
0x5: {  	s20 =	simm.s32 $0x2;
	s4 =	sand.u32 $0x1, s1;
	s21 =	sshll.u32 s0, $0x8  }
0x6: {  	s5 =	sshrl.u32 s0, $0x2;
	s10 =	sadd.s32 $0x37B000, s3;
	p0 =	sgt.u32 s0, $0x1  }
0x7: {  	s2 =	sshll.u32 s4, $0x7;
	s1 =	sand.u32 $0x300, s21;
	s6 =	sshll.u32 s5, $0xF  }
0x8: {  	s7 =	smul.u32 $0x4B000, s5;
	s22 =	ssub.s32 $0x2, s4;
	s24 =	sor.u32 $0x4, s5  }
0x9: {  	s14 =	sor.u32 $0x8, s5;
	s21 =	simm.s32 $0x4;
	s9 =	sor.u32 s2, s1  }
0xa: {  	s1 =	rddreg [dreg:$0x2];
	s2 =	simm.s32 $0x0;
	s13 =	smul.u32 $0x4B000, s24  }
0xb: {  	s12 =	sshrl.u32 s22, $0x1;
	s26 =	smul.u32 $0x4B000, s14;
	s30 =	sshll.u32 s14, $0xF  }
0xc: {  	s14 =	simm.s32 $0x400;
	s6 =	sor.u32 s6, s9;
	[smem:$0x7FF] =	sst s2  }
0xd: {  	s23 =	sor.u32 s7, s9;
	s12 =	ssub.s32 s22, s12;
	s7 =	sshll.u32 s24, $0xF  }
0xe: {  	s22 =	simm.s32 $0x14C00;
	s24 =	simm.s32 $0x0;
	s6 =	sshrl.u32 s6, $0x3  }
0xf: {  	_ =	strace $0x80000047;
	s4 =	sshrl.u32 s23, $0x3;
	s25 =	sor.u32 s9, s13  }
0x10: {  	s28 =	sor.u32 s9, s7;
	s29 =	sor.u32 s9, s26;
	s13 =	sor.u32 s9, s30  }
0x11: {  	s9 =	sshrl.u32 s9, $0x3;
	s12 =	smax.u32 s12, $0x1;
	s23 =	simm.s32 $0x5  }
0x12: {  	s11 =	sadd.s32 s6, s3;
	s3 =	sadd.s32 s10, s4;
	s4 =	sadd.s32 s8, s6  }
.Ltmp0:
0x13: {  	s5 =	sshrl.u32 s25, $0x3;
	s6 =	sshrl.u32 s28, $0x3;
	(pc) =	sbr.rel .LBB2_1-.Ltmp0, $4  }
0x14: {  	s7 =	sshrl.u32 s29, $0x3;
	s13 =	sshrl.u32 s13, $0x3;
	s31 =	sadd.s32 s9, s8  }
0x15: {  	s5 =	sadd.s32 s10, s5;
	s6 =	sadd.s32 s8, s6;
	s7 =	sadd.s32 s10, s7  }
0x16: {  	s10 =	sadd.s32 s9, s10;
	s8 =	sadd.s32 s8, s13;
	s11 =	sadd.s32 $0xC00, s11  }
0x17: {  	s13 =	simm.s32 $0x80;
	s9 =	sadd.s32 $0x70800, s10;
	s10 =	sadd.s32 $0xC000, s31  }
.LBB2_10:
0x18: {  	_ =	sdelay $0x3  }
0x19: {  	v1 =	vld.idx.msk [tilespmem:v1+s16+$0x0], $0xffff;
	_ =	sdelay $0x1  }
0x1a: {  	v2 =	vld [tilespmem:s26+$0x14C00];
	_ =	sdelay $0x1  }
0x1b: {  	vm1 =	vgt.s32 v0, $0x95FF;
	v3 =	vadd.s32 $0xFFFF6A00, v0  }
0x1c: {  	v0 =	vsel vm1, v3, v0;
	v62 =	vand.u32 $0xFFFF0000, v1;
	v1 =	vshll.u32 v1, $0x10  }
0x1d: {  	v1 =	vsel vm0, v62, v1  }
0x1e: {  	v1 =	vadd.f32 v1, v2;
	_ =	sdelay $0x1  }
0x1f: {  	[tilespmem:s26+$0x14C00] =	vst v1  }
0x20: {  	v0 =	vld.idx.msk [tilespmem:v0+s16+$0x0], $0xffff;
	_ =	sdelay $0x1  }
0x21: {  	v1 =	vld [tilespmem:s25+$0x14C00];
	_ =	sdelay $0x2  }
0x22: {  	vm15 =	vmmov vm1;
	v63 =	vand.u32 $0xFFFF0000, v0;
	v0 =	vshll.u32 v0, $0x10  }
0x23: {  	v0 =	vsel vm15, v63, v0  }
0x24: {  	v0 =	vadd.f32 v0, v1;
	_ =	sdelay $0x1  }
0x25: {  	[tilespmem:s25+$0x14C00] =	vst v0  }
.LBB2_11:
0x26: {  	s24 =	sadd.s32 $0x1, s24  }
0x27: {  	p1 =	sne.s32 s24, s12  }
.Ltmp1:
0x28: {  	_ = 	snop;
	(pc) =	sbr.rel @!p1 .LBB2_12-.Ltmp1, $4  }
0x29: {  	[hbm4b:s11+s13] =	stream.strided.scatter [tilespmem:s22], [sflag:$0x5], $0x1000, s14, s13, $0x38;
	[tilespmem:$0x15C00] =	vst v63  }
0x2a: {  	_ =	swait.ge [sflag:s23], $0x1000  }
0x2b: {  	[sflag:s23] =	ssyncset.done $0x0  }
0x2c: {  	[sflag:s23] =	ssyncadd.s32 $0xFFFFF000  }
.LBB2_1:
0x2d: {  	[tilespmem:s2], [sflag:$0x1] =	stream.strided.gather [hbm4b:s3+s13], $0x9600, s14, s13, $0x38;
	[tilespmem:$0x15C00] =	vst v63  }
0x2e: {  	_ = 	snop  }
0x2f: {  	[tilespmem:s15], [sflag:$0x3] =	stream.strided.gather [hbm4b:s4+s13], $0x1000, s14, s13, $0x38;
	[tilespmem:$0x15C00] =	vst v63  }
0x30: {  	_ = 	snop  }
0x31: {  	[tilespmem:s16], [sflag:$0x2] =	stream.strided.gather [hbm4b:s5+s13], $0x9600, s14, s13, $0x38;
	[tilespmem:$0x15C00] =	vst v63  }
0x32: {  	_ = 	snop  }
0x33: {  	[tilespmem:s17], [sflag:$0x4] =	stream.strided.gather [hbm4b:s6+s13], $0x1000, s14, s13, $0x38;
	[tilespmem:$0x15C00] =	vst v63  }
0x34: {  	_ =	swait.ge [sflag:s18], $0x9600  }
0x35: {  	[sflag:s18] =	ssyncset.done $0x0  }
0x36: {  	[sflag:s18] =	ssyncadd.s32 $0xFFFF6A00  }
0x37: {  	_ =	swait.ge [sflag:s19], $0x1000  }
0x38: {  	[sflag:s19] =	ssyncset.done $0x0  }
0x39: {  	s26 =	simm.s32 $0x0;
	[sflag:s19] =	ssyncadd.s32 $0xFFFFF000  }
0x3a: {  	v0 =	vld [tilespmem:s26+$0x12C00];
	_ =	sdelay $0x4  }
0x3b: {  	vm0 =	vgt.s32 v0, $0x95FF;
	v1 =	vadd.s32 $0xFFFF6A00, v0  }
0x3c: {  	v0 =	vsel vm0, v1, v0  }
0x3d: {  	s25 =	simm.s32 $0x10  }
0x3e: {  	v1 =	vld [tilespmem:s25+$0x12C00];
	_ =	sdelay $0x2  }
0x3f: {  	v2 =	vld.idx.msk [tilespmem:v0+s2+$0x0], $0xffff;
	_ =	sdelay $0x1  }
0x40: {  	vm1 =	vgt.s32 v1, $0x95FF;
	v0 =	vadd.s32 $0xFFFF6A00, v1  }
0x41: {  	v0 =	vsel vm1, v0, v1;
	_ =	sdelay $0x1  }
0x42: {  	s28 =	simm.s32 $0x20;
	s29 =	simm.s32 $0xC0;
	vm0 =	vmmov vm0;
	v1 =	vand.u32 $0xFFFF0000, v2;
	v2 =	vshll.u32 v2, $0x10  }
.LBB2_2:
0x43: {  	p1 =	sne.s32 s29, $0x3FC0;
	v3 =	vld [tilespmem:s28+$0x12C00];
	v1 =	vsel vm0, v1, v2;
	vm0 =	vmmov vm1  }
0x44: {  	[tilespmem:s26+$0x14C00] =	vst v1;
	s26 =	smov.u32 s25;
	s25 =	smov.u32 s28  }
0x45: {  	v2 =	vld.idx.msk [tilespmem:v0+s2+$0x0], $0xffff;
	_ =	sdelay $0x1  }
.Ltmp2:
0x46: {  	(pc) =	sbr.rel @p1 .LBB2_2-.Ltmp2, $3  }
0x47: {  	vm1 =	vgt.s32 v3, $0x95FF;
	v0 =	vadd.s32 $0xFFFF6A00, v3  }
0x48: {  	v0 =	vsel vm1, v0, v3;
	_ =	sdelay $0x1  }
0x49: {  	s28 =	sshra.s32 s29, $0x2;
	s29 =	sadd.s32 $0x40, s29;
	v1 =	vand.u32 $0xFFFF0000, v2;
	v2 =	vshll.u32 v2, $0x10  }
0x4a: {  	_ = 	snop  }
0x4b: {  	v3 =	vld [tilespmem:s28+$0x12C00]  }
0x4c: {  	v1 =	vsel vm0, v1, v2  }
0x4d: {  	[tilespmem:s26+$0x14C00] =	vst v1  }
0x4e: {  	v0 =	vld.idx.msk [tilespmem:v0+s2+$0x0], $0xffff;
	_ =	sdelay $0x1  }
0x4f: {  	vm0 =	vgt.s32 v3, $0x95FF;
	v1 =	vadd.s32 $0xFFFF6A00, v3  }
0x50: {  	v1 =	vsel vm0, v1, v3;
	_ =	sdelay $0x1  }
0x51: {  	vm1 =	vmmov vm1;
	v2 =	vand.u32 $0xFFFF0000, v0;
	v0 =	vshll.u32 v0, $0x10  }
0x52: {  	v0 =	vsel vm1, v2, v0  }
0x53: {  	[tilespmem:s25+$0x14C00] =	vst v0  }
0x54: {  	v0 =	vld.idx.msk [tilespmem:v1+s2+$0x0], $0xffff;
	_ =	sdelay $0x4  }
0x55: {  	vm0 =	vmmov vm0;
	v1 =	vand.u32 $0xFFFF0000, v0;
	v0 =	vshll.u32 v0, $0x10  }
0x56: {  	v0 =	vsel vm0, v1, v0  }
0x57: {  	s31 =	simm.s32 $0x0;
	[tilespmem:s28+$0x14C00] =	vst v0  }
0x58: {  	[tilespmem:s31], [sflag:$0x1] =	stream.strided.gather [hbm4b:s7+s13], $0x9600, s14, s13, $0x38;
	[tilespmem:$0x15C00] =	vst v63  }
0x59: {  	_ = 	snop  }
0x5a: {  	[tilespmem:s15], [sflag:$0x3] =	stream.strided.gather [hbm4b:s8+s13], $0x1000, s14, s13, $0x38;
	[tilespmem:$0x15C00] =	vst v63  }
0x5b: {  	_ =	swait.ge [sflag:s20], $0x9600  }
0x5c: {  	[sflag:s20] =	ssyncset.done $0x0  }
0x5d: {  	[sflag:s20] =	ssyncadd.s32 $0xFFFF6A00  }
0x5e: {  	_ =	swait.ge [sflag:s21], $0x1000  }
0x5f: {  	[sflag:s21] =	ssyncset.done $0x0  }
0x60: {  	s26 =	simm.s32 $0x0;
	[sflag:s21] =	ssyncadd.s32 $0xFFFFF000  }
0x61: {  	v0 =	vld [tilespmem:s26+$0x13C00];
	_ =	sdelay $0x4  }
0x62: {  	vm0 =	vgt.s32 v0, $0x95FF;
	v1 =	vadd.s32 $0xFFFF6A00, v0  }
0x63: {  	v1 =	vsel vm0, v1, v0;
	_ =	sdelay $0x2  }
0x64: {  	s25 =	simm.s32 $0x10  }
0x65: {  	s28 =	simm.s32 $0x80;
	vm0 =	vmmov vm0;
	v0 =	vld [tilespmem:s25+$0x13C00]  }
.LBB2_4:
0x66: {  	p1 =	sne.s32 s28, $0x3FC0;
	v2 =	vld.idx.msk [tilespmem:v1+s16+$0x0], $0xffff;
	_ =	sdelay $0x2  }
0x67: {  	v3 =	vld [tilespmem:s26+$0x14C00];
	_ =	sdelay $0x1  }
0x68: {  	vm1 =	vgt.s32 v0, $0x95FF;
	v1 =	vadd.s32 $0xFFFF6A00, v0  }
.Ltmp3:
0x69: {  	v1 =	vsel vm1, v1, v0;
	v0 =	vand.u32 $0xFFFF0000, v2;
	v2 =	vshll.u32 v2, $0x10;
	(pc) =	sbr.rel @p1 .LBB2_4-.Ltmp3, $4  }
0x6a: {  	v0 =	vsel vm0, v0, v2;
	vm0 =	vmmov vm1  }
0x6b: {  	v2 =	vadd.f32 v0, v3  }
0x6c: {  	s29 =	sshra.s32 s28, $0x2  }
0x6d: {  	s28 =	sadd.s32 $0x40, s28;
	v0 =	vld [tilespmem:s29+$0x13C00];
	[tilespmem:s26+$0x14C00] =	vst v2;
	s26 =	smov.u32 s25;
	s25 =	smov.u32 s29  }
0x6e: {  	_ =	sdelay $0x3  }
0x6f: {  	v1 =	vld.idx.msk [tilespmem:v1+s16+$0x0], $0xffff;
	_ =	sdelay $0x1  }
0x70: {  	v2 =	vld [tilespmem:s26+$0x14C00];
	_ =	sdelay $0x1  }
0x71: {  	vm1 =	vgt.s32 v0, $0x95FF;
	v3 =	vadd.s32 $0xFFFF6A00, v0  }
0x72: {  	v0 =	vsel vm1, v3, v0;
	v3 =	vand.u32 $0xFFFF0000, v1;
	v1 =	vshll.u32 v1, $0x10  }
0x73: {  	v1 =	vsel vm0, v3, v1  }
0x74: {  	v1 =	vadd.f32 v1, v2;
	_ =	sdelay $0x1  }
0x75: {  	[tilespmem:s26+$0x14C00] =	vst v1  }
0x76: {  	v0 =	vld.idx.msk [tilespmem:v0+s16+$0x0], $0xffff;
	_ =	sdelay $0x1  }
0x77: {  	v1 =	vld [tilespmem:s25+$0x14C00];
	_ =	sdelay $0x2  }
0x78: {  	vm0 =	vmmov vm1;
	v2 =	vand.u32 $0xFFFF0000, v0;
	v0 =	vshll.u32 v0, $0x10  }
0x79: {  	v0 =	vsel vm0, v2, v0  }
0x7a: {  	v0 =	vadd.f32 v0, v1;
	_ =	sdelay $0x1  }
0x7b: {  	s28 =	simm.s32 @!p0 $0x9600;
	s26 =	simm.s32 @!p0 $0x400;
	[tilespmem:s25+$0x14C00] =	vst v0;
	s25 =	simm.s32 @!p0 $0x80  }
0x7c: {  	[tilespmem:s28], [sflag:$0x2] =	stream.strided.gather @!p0 [hbm4b:s9+s25], $0x9600, s26, s25, $0x38;
	[tilespmem:$0x15C00] =	vst v63  }
0x7d: {  	s28 =	simm.s32 @!p0 $0x13C00  }
0x7e: {  	[tilespmem:s28], [sflag:$0x4] =	stream.strided.gather @!p0 [hbm4b:s10+s25], $0x1000, s26, s25, $0x38;
	[tilespmem:$0x15C00] =	vst v63  }
0x7f: {  	_ =	swait.ge [sflag:s18], $0x9600  }
0x80: {  	[sflag:s18] =	ssyncset.done $0x0  }
0x81: {  	[sflag:s18] =	ssyncadd.s32 $0xFFFF6A00  }
0x82: {  	_ =	swait.ge [sflag:s19], $0x1000  }
0x83: {  	[sflag:s19] =	ssyncset.done $0x0  }
0x84: {  	s26 =	simm.s32 $0x0;
	[sflag:s19] =	ssyncadd.s32 $0xFFFFF000  }
0x85: {  	v0 =	vld [tilespmem:s26+$0x12C00];
	_ =	sdelay $0x4  }
0x86: {  	vm0 =	vgt.s32 v0, $0x95FF;
	v1 =	vadd.s32 $0xFFFF6A00, v0  }
0x87: {  	v1 =	vsel vm0, v1, v0;
	_ =	sdelay $0x2  }
0x88: {  	s25 =	simm.s32 $0x10  }
0x89: {  	s28 =	simm.s32 $0x80;
	vm0 =	vmmov vm0;
	v0 =	vld [tilespmem:s25+$0x12C00]  }
.LBB2_6:
0x8a: {  	p1 =	sne.s32 s28, $0x3FC0;
	v2 =	vld.idx.msk [tilespmem:v1+s2+$0x0], $0xffff;
	_ =	sdelay $0x2  }
0x8b: {  	v3 =	vld [tilespmem:s26+$0x14C00];
	_ =	sdelay $0x1  }
0x8c: {  	vm1 =	vgt.s32 v0, $0x95FF;
	v1 =	vadd.s32 $0xFFFF6A00, v0  }
.Ltmp4:
0x8d: {  	v1 =	vsel vm1, v1, v0;
	v0 =	vand.u32 $0xFFFF0000, v2;
	v2 =	vshll.u32 v2, $0x10;
	(pc) =	sbr.rel @p1 .LBB2_6-.Ltmp4, $4  }
0x8e: {  	v0 =	vsel vm0, v0, v2;
	vm0 =	vmmov vm1  }
0x8f: {  	v2 =	vadd.f32 v0, v3  }
0x90: {  	s29 =	sshra.s32 s28, $0x2  }
0x91: {  	s28 =	sadd.s32 $0x40, s28;
	v0 =	vld [tilespmem:s29+$0x12C00];
	[tilespmem:s26+$0x14C00] =	vst v2;
	s26 =	smov.u32 s25;
	s25 =	smov.u32 s29  }
0x92: {  	_ =	sdelay $0x3  }
0x93: {  	v1 =	vld.idx.msk [tilespmem:v1+s2+$0x0], $0xffff;
	_ =	sdelay $0x1  }
0x94: {  	v2 =	vld [tilespmem:s26+$0x14C00];
	_ =	sdelay $0x1  }
0x95: {  	vm1 =	vgt.s32 v0, $0x95FF;
	v3 =	vadd.s32 $0xFFFF6A00, v0  }
0x96: {  	v0 =	vsel vm1, v3, v0;
	v62 =	vand.u32 $0xFFFF0000, v1;
	v1 =	vshll.u32 v1, $0x10  }
0x97: {  	v1 =	vsel vm0, v62, v1  }
0x98: {  	v1 =	vadd.f32 v1, v2;
	_ =	sdelay $0x1  }
0x99: {  	[tilespmem:s26+$0x14C00] =	vst v1  }
0x9a: {  	v0 =	vld.idx.msk [tilespmem:v0+s2+$0x0], $0xffff;
	_ =	sdelay $0x1  }
0x9b: {  	v1 =	vld [tilespmem:s25+$0x14C00];
	_ =	sdelay $0x2  }
.Ltmp5:
0x9c: {  	vm15 =	vmmov vm1;
	v63 =	vand.u32 $0xFFFF0000, v0;
	v0 =	vshll.u32 v0, $0x10;
	(pc) =	sbr.rel @p0 .LBB2_11-.Ltmp5, $3  }
0x9d: {  	v0 =	vsel vm15, v63, v0  }
0x9e: {  	v0 =	vadd.f32 v0, v1;
	_ =	sdelay $0x1  }
0x9f: {  	[tilespmem:s25+$0x14C00] =	vst v0  }
0xa0: {  	_ =	swait.ge [sflag:s20], $0x9600  }
0xa1: {  	[sflag:s20] =	ssyncset.done $0x0  }
0xa2: {  	[sflag:s20] =	ssyncadd.s32 $0xFFFF6A00  }
0xa3: {  	_ =	swait.ge [sflag:s21], $0x1000  }
0xa4: {  	[sflag:s21] =	ssyncset.done $0x0  }
0xa5: {  	s26 =	simm.s32 $0x0;
	[sflag:s21] =	ssyncadd.s32 $0xFFFFF000  }
0xa6: {  	v0 =	vld [tilespmem:s26+$0x13C00];
	_ =	sdelay $0x4  }
0xa7: {  	vm0 =	vgt.s32 v0, $0x95FF;
	v1 =	vadd.s32 $0xFFFF6A00, v0  }
0xa8: {  	v1 =	vsel vm0, v1, v0;
	_ =	sdelay $0x2  }
0xa9: {  	s25 =	simm.s32 $0x10  }
0xaa: {  	s28 =	simm.s32 $0x80;
	vm0 =	vmmov vm0;
	v0 =	vld [tilespmem:s25+$0x13C00]  }
.LBB2_9:
0xab: {  	p1 =	sne.s32 s28, $0x3FC0;
	v2 =	vld.idx.msk [tilespmem:v1+s16+$0x0], $0xffff;
	_ =	sdelay $0x2  }
0xac: {  	v3 =	vld [tilespmem:s26+$0x14C00];
	_ =	sdelay $0x1  }
0xad: {  	vm1 =	vgt.s32 v0, $0x95FF;
	v1 =	vadd.s32 $0xFFFF6A00, v0  }
.Ltmp6:
0xae: {  	v1 =	vsel vm1, v1, v0;
	v0 =	vand.u32 $0xFFFF0000, v2;
	v2 =	vshll.u32 v2, $0x10;
	(pc) =	sbr.rel @p1 .LBB2_9-.Ltmp6, $4  }
0xaf: {  	v0 =	vsel vm0, v0, v2;
	vm0 =	vmmov vm1  }
0xb0: {  	v2 =	vadd.f32 v0, v3  }
0xb1: {  	s29 =	sshra.s32 s28, $0x2  }
0xb2: {  	s28 =	sadd.s32 $0x40, s28;
	v0 =	vld [tilespmem:s29+$0x13C00];
	[tilespmem:s26+$0x14C00] =	vst v2;
	s26 =	smov.u32 s25;
	s25 =	smov.u32 s29  }
.Ltmp7:
0xb3: {  	_ = 	snop;
	(pc) =	sbr.rel .LBB2_10-.Ltmp7, $1  }
0xb4: {  	_ =	sdelay $0x3  }
.LBB2_12:
0xb5: {  	_ =	sfence.sel $0x180000  }
0xb6: {  	[bflag:$0x0] =	sbarrier.arrive $0xFFFF  }
0xb7: {  	p0 =	sne.s32 s0, $0x0;
	_ =	strace $0x90000047  }
0xb8: {  	s0 =	sadd.s32 @!p0 $0x100000, s1;
	[bflag:$0x2] =	sbarrier.arrive $0xFFFF  }
0xb9: {  	[sflag:s0] =	ssyncadd.tile.s32 @!p0 $0x1;
	_ =	shalt  }
.Lfunc_end2:
_tile_overlayer_lowered:
.L_overlay_start_2:
0xba: {  	(tag) =	ssettag $0x2  }
0xbb: {  	s0 =	rddreg [dreg:$0x0];
	s2 =	stileid.u32  }
0xbc: {  	s1 =	rddreg [dreg:$0x1];
	p0 =	sne.s32 s2, $0x0  }
0xbd: {  	s3 =	rddreg [dreg:$0x2];
	[bflag:$0x3] =	sbarrier.arrive $0xFFFF;
	s2 =	simm.s32 @!p0 $0x1C05  }
0xbe: {  	[timem:s3], [sflag:s2] =	dma.local @!p0 [hbm:s0], s1  }
0xbf: {  	s0 =	simm.s32 @!p0 $0x5  }
0xc0: {  	_ =	swait.ge @!p0 [sflag:s0], s1  }
0xc1: {  	s1 =	ssub.s32 @!p0 $0x0, s1;
	[sflag:s0] =	ssyncset.done @!p0 $0x0  }
0xc2: {  	[sflag:s0] =	ssyncadd.s32 @!p0 s1  }
0xc3: {  	[bflag:$0x3] =	sbarrier.arrive $0xFFFF  }
0xc4: {  	_ =	shalt  }

</sc_bundles>
